<compile_context>
chip_gen: v7x
topology: tpu7x:2x2x1
jax: 0.10.2.dev20260603
libtpu: 0.0.44.dev20260713+nightly
codegen_flags: <defaults>
</compile_context>

<pallas_src>
import functools

import jax
import jax.numpy as jnp
from jax import lax
from jax.experimental import pallas as pl
from jax.experimental.pallas import tpu as pltpu
from jax.experimental.pallas import tpu_sc as plsc

B = 16384
D = 32
NC = 2
NS = 16
NW = NC * NS
BPW = B // NW
PASS = 256
NPASS = BPW // PASS
CH = 128
NCHUNK = PASS // CH
GROUPS = PASS // 16

_mesh = plsc.VectorSubcoreMesh(core_axis_name="c", subcore_axis_name="s")


@functools.partial(
    pl.kernel,
    mesh=_mesh,
    compiler_params=pltpu.CompilerParams(
        needs_layout_passes=False, use_tc_tiling_on_sc=True,
        disable_bounds_checks=True),
    out_type=jax.ShapeDtypeStruct((B,), jnp.float32),
    scratch_types=[
        pltpu.VMEM((BPW,), jnp.int32),
        pltpu.VMEM((BPW,), jnp.int32),
        pltpu.VMEM((PASS, 128), jnp.float32),
        pltpu.VMEM((PASS, 128), jnp.float32),
        pltpu.VMEM((48,), jnp.float32),
        pltpu.VMEM((BPW,), jnp.float32),
        pltpu.SemaphoreType.DMA,
    ],
)
def _gmf_sc(user_hbm, item_hbm, uemb_hbm, iemb_hbm, wb_hbm, out_hbm,
            uidx_v, iidx_v, urows_v, irows_v, wb_v, out_v, sem):
    wid = lax.axis_index("s") * NC + lax.axis_index("c")
    base = pl.multiple_of(wid * BPW, BPW)

    pltpu.sync_copy(user_hbm.at[pl.ds(base, BPW)], uidx_v)
    pltpu.sync_copy(item_hbm.at[pl.ds(base, BPW)], iidx_v)
    pltpu.sync_copy(wb_hbm, wb_v)

    w0 = wb_v[pl.ds(0, 16)]
    w1 = wb_v[pl.ds(16, 16)]
    bias = wb_v[pl.ds(32, 16)][0]
    lane = lax.iota(jnp.int32, 16)

    for p in range(NPASS):
        copies = []
        for j in range(NCHUNK):
            isl = pl.ds(p * PASS + j * CH, CH)
            bsl = pl.ds(j * CH, CH)
            copies.append(pltpu.make_async_copy(
                uemb_hbm.at[uidx_v.at[isl], pl.ds(0, 128)],
                urows_v.at[bsl], sem))
            copies.append(pltpu.make_async_copy(
                iemb_hbm.at[iidx_v.at[isl], pl.ds(0, 128)],
                irows_v.at[bsl], sem))
        for c in copies:
            c.start()
        for c in copies:
            c.wait()

        def compute_group(g, carry):
            row0 = pl.multiple_of(g * 16, 16)
            svec = jnp.zeros((16,), jnp.float32)
            for k in range(16):
                r = row0 + k
                u0 = urows_v[r, pl.ds(0, 16)]
                u1 = urows_v[r, pl.ds(16, 16)]
                i0 = irows_v[r, pl.ds(0, 16)]
                i1 = irows_v[r, pl.ds(16, 16)]
                s = jnp.sum(u0 * i0 * w0 + u1 * i1 * w1)
                svec = jnp.where(lane == k, s, svec)
            logits = svec + bias
            out_v[pl.ds(carry + row0, 16)] = 1.0 / (1.0 + jnp.exp(-logits))
            return carry

        lax.fori_loop(0, GROUPS, compute_group, p * PASS)

    pltpu.sync_copy(out_v, out_hbm.at[pl.ds(base, BPW)])


def kernel(user, item, user_emb, item_emb, out_w, out_b):
    wb = jnp.concatenate(
        [out_w.reshape(-1), out_b.reshape(-1),
         jnp.zeros((48 - D - 1,), jnp.float32)]).astype(jnp.float32)
    return _gmf_sc(user.astype(jnp.int32), item.astype(jnp.int32),
                   user_emb, item_emb, wb)

# --- scband reference (transcript-rebuilt; emitter-appended) ---
"""Pipeline reference for scband-gmf-84086869721635 (READ-ONLY COPY).

The authoritative reference and input builder live on the scoring server;
editing this copy changes nothing except your own understanding.
"""

import jax, jax.numpy as jnp
import numpy as np

N_USERS = 1000000
N_ITEMS = 100000
EMBED_DIM = 32
BATCH = 16384

def setup_inputs(seed: int = 0) -> dict:
    key = jax.random.key(seed)
    k1, k2, k3, k4, k5, k6 = jax.random.split(key, 6)
    user = jax.random.randint(k1, (BATCH,), 0, N_USERS, dtype=jnp.int64 if jax.config.jax_enable_x64 else jnp.int32)
    item = jax.random.randint(k2, (BATCH,), 0, N_ITEMS, dtype=jnp.int64 if jax.config.jax_enable_x64 else jnp.int32)
    user_emb = jax.random.normal(k3, (N_USERS + 1, EMBED_DIM), dtype=jnp.float32) * 0.01
    item_emb = jax.random.normal(k4, (N_ITEMS + 1, EMBED_DIM), dtype=jnp.float32) * 0.01
    # Linear(embed_dim, 1): weight [1, embed_dim], bias [1]; torch default init U(-1/sqrt(d), 1/sqrt(d))
    bound = 1.0 / np.sqrt(EMBED_DIM)
    out_w = jax.random.uniform(k5, (1, EMBED_DIM), dtype=jnp.float32, minval=-bound, maxval=bound)
    out_b = jax.random.uniform(k6, (1,), dtype=jnp.float32, minval=-bound, maxval=bound)
    return {"user": user, "item": item, "user_emb": user_emb, "item_emb": item_emb, "out_w": out_w, "out_b": out_b}

def reference(user, item, user_emb, item_emb, out_w, out_b):
    u = jnp.take(user_emb, user, axis=0)           # [B, D] gather
    i = jnp.take(item_emb, item, axis=0)           # [B, D] gather
    x = u * i                                      # elementwise product (GMF)
    logits = x @ out_w.T + out_b                   # [B, 1]
    return jax.nn.sigmoid(logits).squeeze(-1)      # [B]

if __name__ == "__main__":
    import jax
    _d = setup_inputs()
    print(jax.jit(kernel)(*tuple(_d.values())))

</pallas_src>

<mosaic_0001>
#map = affine_map<(d0, d1) -> (0)>
#map1 = affine_map<(d0, d1) -> (0, 0)>
module attributes {stable_mosaic.version = 14 : i64} {
  func.func @_gmf_sc(%arg0: i32, %arg1: i32, %arg2: memref<16384xi32, #tpu.memory_space<hbm>>, %arg3: memref<16384xi32, #tpu.memory_space<hbm>>, %arg4: memref<1000001x32xf32, #tpu.memory_space<hbm>>, %arg5: memref<100001x32xf32, #tpu.memory_space<hbm>>, %arg6: memref<48xf32, #tpu.memory_space<hbm>>, %arg7: memref<16384xf32, #tpu.memory_space<hbm>>, %arg8: memref<512xi32, #tpu.memory_space<vmem>>, %arg9: memref<512xi32, #tpu.memory_space<vmem>>, %arg10: memref<256x128xf32, #tpu.memory_space<vmem>>, %arg11: memref<256x128xf32, #tpu.memory_space<vmem>>, %arg12: memref<48xf32, #tpu.memory_space<vmem>>, %arg13: memref<512xf32, #tpu.memory_space<vmem>>, %arg14: memref<!tpu.dma_semaphore, #tpu.memory_space<semaphore_mem>>) attributes {dimension_semantics = [#tpu.dimension_semantics<core_parallel>, #tpu.dimension_semantics<subcore_parallel>], iteration_bounds = array<i64: 2, 16>, scalar_prefetch = 0 : i64, scratch_operands = 7 : i64, tpu.core_type = #tpu.core_type<sc_vector_subcore>, window_params = [{transform_indices = #map}, {transform_indices = #map}, {transform_indices = #map1}, {transform_indices = #map1}, {transform_indices = #map}, {transform_indices = #map}]} {
    %mul3A = arith.constant 2 : i32
    %mul3A_0 = arith.muli %arg1, %mul3A : i32
    %add3A = arith.addi %mul3A_0, %arg0 : i32
    %mul3A_1 = arith.constant 512 : i32
    %mul3A_2 = arith.muli %add3A, %mul3A_1 : i32
    %multiple_of3A = tpu.assume_multiple %mul3A_2, 512 : i32
    "tpu.region"() ({
      %run_scoped3A = tpu.sem_alloc : memref<!tpu.dma_semaphore, #tpu.memory_space<semaphore_mem>>
      %dma_start3A_145 = tpu.memref_slice %arg2[%multiple_of3A] : memref<16384xi32, #tpu.memory_space<hbm>> -> memref<512xi32, #tpu.memory_space<hbm>>
      %dma_start3A_146 = tpu.memref_slice %arg2[%multiple_of3A] : memref<16384xi32, #tpu.memory_space<hbm>> -> memref<512xi32, #tpu.memory_space<hbm>>
      tpu.enqueue_dma source(%dma_start3A_146 : memref<512xi32, #tpu.memory_space<hbm>>) target(%arg8 : memref<512xi32, #tpu.memory_space<vmem>>) target_semaphore(%run_scoped3A : memref<!tpu.dma_semaphore, #tpu.memory_space<semaphore_mem>>)
      %dma_wait3A_147 = tpu.memref_slice %arg2[%multiple_of3A] : memref<16384xi32, #tpu.memory_space<hbm>> -> memref<512xi32, #tpu.memory_space<hbm>>
      %dma_wait3A_148 = tpu.memref_slice %arg2[%multiple_of3A] : memref<16384xi32, #tpu.memory_space<hbm>> -> memref<512xi32, #tpu.memory_space<hbm>>
      tpu.wait_dma2 semaphore(%run_scoped3A : memref<!tpu.dma_semaphore, #tpu.memory_space<semaphore_mem>>) src(%dma_wait3A_148 : memref<512xi32, #tpu.memory_space<hbm>>) dst(%arg8 : memref<512xi32, #tpu.memory_space<vmem>>)
      tpu.yield
    }) : () -> ()
    "tpu.region"() ({
      %run_scoped3A = tpu.sem_alloc : memref<!tpu.dma_semaphore, #tpu.memory_space<semaphore_mem>>
      %dma_start3A_145 = tpu.memref_slice %arg3[%multiple_of3A] : memref<16384xi32, #tpu.memory_space<hbm>> -> memref<512xi32, #tpu.memory_space<hbm>>
      %dma_start3A_146 = tpu.memref_slice %arg3[%multiple_of3A] : memref<16384xi32, #tpu.memory_space<hbm>> -> memref<512xi32, #tpu.memory_space<hbm>>
      tpu.enqueue_dma source(%dma_start3A_146 : memref<512xi32, #tpu.memory_space<hbm>>) target(%arg9 : memref<512xi32, #tpu.memory_space<vmem>>) target_semaphore(%run_scoped3A : memref<!tpu.dma_semaphore, #tpu.memory_space<semaphore_mem>>)
      %dma_wait3A_147 = tpu.memref_slice %arg3[%multiple_of3A] : memref<16384xi32, #tpu.memory_space<hbm>> -> memref<512xi32, #tpu.memory_space<hbm>>
      %dma_wait3A_148 = tpu.memref_slice %arg3[%multiple_of3A] : memref<16384xi32, #tpu.memory_space<hbm>> -> memref<512xi32, #tpu.memory_space<hbm>>
      tpu.wait_dma2 semaphore(%run_scoped3A : memref<!tpu.dma_semaphore, #tpu.memory_space<semaphore_mem>>) src(%dma_wait3A_148 : memref<512xi32, #tpu.memory_space<hbm>>) dst(%arg9 : memref<512xi32, #tpu.memory_space<vmem>>)
      tpu.yield
    }) : () -> ()
    "tpu.region"() ({
      %run_scoped3A = tpu.sem_alloc : memref<!tpu.dma_semaphore, #tpu.memory_space<semaphore_mem>>
      tpu.enqueue_dma source(%arg6 : memref<48xf32, #tpu.memory_space<hbm>>) target(%arg12 : memref<48xf32, #tpu.memory_space<vmem>>) target_semaphore(%run_scoped3A : memref<!tpu.dma_semaphore, #tpu.memory_space<semaphore_mem>>)
      tpu.wait_dma2 semaphore(%run_scoped3A : memref<!tpu.dma_semaphore, #tpu.memory_space<semaphore_mem>>) src(%arg6 : memref<48xf32, #tpu.memory_space<hbm>>) dst(%arg12 : memref<48xf32, #tpu.memory_space<vmem>>)
      tpu.yield
    }) : () -> ()
    %get3A = arith.constant 0 : index
    %get3A_3 = tpu.vector_load %arg12[%get3A] {strides = array<i32>} : memref<48xf32, #tpu.memory_space<vmem>>, vector<16xf32>,
    %get3A_4 = arith.constant 16 : index
    %get3A_5 = tpu.vector_load %arg12[%get3A_4] {strides = array<i32>} : memref<48xf32, #tpu.memory_space<vmem>>, vector<16xf32>,
    %get3A_6 = arith.constant 32 : index
    %get3A_7 = tpu.vector_load %arg12[%get3A_6] {strides = array<i32>} : memref<48xf32, #tpu.memory_space<vmem>>, vector<16xf32>,
    %slice3A = vector.extract_strided_slice %get3A_7 {offsets = [0], sizes = [1], strides = [1]} : vector<16xf32> to vector<1xf32>
    %squeeze3A = vector.extract %slice3A[0] : f32 from vector<1xf32>
    %iota3A = tpu.iota {dimensions = array<i32: 0>} : vector<16xi32>
    %dma_start3A = arith.constant 0 : i32
    %dma_start3A_8 = arith.constant 0 : i32
    %dma_start3A_9 = tpu.memref_slice %arg10[%dma_start3A, %dma_start3A_8] : memref<256x128xf32, #tpu.memory_space<vmem>> -> memref<128x128xf32, #tpu.memory_space<vmem>>
    %dma_start3A_10 = arith.constant 0 : i32
    %dma_start3A_11 = tpu.memref_slice %arg8[%dma_start3A_10] : memref<512xi32, #tpu.memory_space<vmem>> -> memref<128xi32, #tpu.memory_space<vmem>>
    %dma_start3A_12 = arith.constant 0 : i32
    %dma_start3A_13 = arith.constant 0 : i32
    %dma_start3A_14 = tpu.memref_slice %arg4[%dma_start3A_12, %dma_start3A_13] : memref<1000001x32xf32, #tpu.memory_space<hbm>> -> memref<1000001x128xf32, #tpu.memory_space<hbm>>
    tpu.enqueue_indirect_dma source(%dma_start3A_14 : memref<1000001x128xf32, #tpu.memory_space<hbm>>) target(%dma_start3A_9 : memref<128x128xf32, #tpu.memory_space<vmem>>) offsets(%dma_start3A_11 : memref<128xi32, #tpu.memory_space<vmem>>) semaphore(%arg14 : memref<!tpu.dma_semaphore, #tpu.memory_space<semaphore_mem>>)
    %dma_start3A_15 = arith.constant 0 : i32
    %dma_start3A_16 = arith.constant 0 : i32
    %dma_start3A_17 = tpu.memref_slice %arg11[%dma_start3A_15, %dma_start3A_16] : memref<256x128xf32, #tpu.memory_space<vmem>> -> memref<128x128xf32, #tpu.memory_space<vmem>>
    %dma_start3A_18 = arith.constant 0 : i32
    %dma_start3A_19 = tpu.memref_slice %arg9[%dma_start3A_18] : memref<512xi32, #tpu.memory_space<vmem>> -> memref<128xi32, #tpu.memory_space<vmem>>
    %dma_start3A_20 = arith.constant 0 : i32
    %dma_start3A_21 = arith.constant 0 : i32
    %dma_start3A_22 = tpu.memref_slice %arg5[%dma_start3A_20, %dma_start3A_21] : memref<100001x32xf32, #tpu.memory_space<hbm>> -> memref<100001x128xf32, #tpu.memory_space<hbm>>
    tpu.enqueue_indirect_dma source(%dma_start3A_22 : memref<100001x128xf32, #tpu.memory_space<hbm>>) target(%dma_start3A_17 : memref<128x128xf32, #tpu.memory_space<vmem>>) offsets(%dma_start3A_19 : memref<128xi32, #tpu.memory_space<vmem>>) semaphore(%arg14 : memref<!tpu.dma_semaphore, #tpu.memory_space<semaphore_mem>>)
    %dma_start3A_23 = arith.constant 128 : i32
    %dma_start3A_24 = arith.constant 0 : i32
    %dma_start3A_25 = tpu.memref_slice %arg10[%dma_start3A_23, %dma_start3A_24] : memref<256x128xf32, #tpu.memory_space<vmem>> -> memref<128x128xf32, #tpu.memory_space<vmem>>
    %dma_start3A_26 = arith.constant 128 : i32
    %dma_start3A_27 = tpu.memref_slice %arg8[%dma_start3A_26] : memref<512xi32, #tpu.memory_space<vmem>> -> memref<128xi32, #tpu.memory_space<vmem>>
    %dma_start3A_28 = arith.constant 0 : i32
    %dma_start3A_29 = arith.constant 0 : i32
    %dma_start3A_30 = tpu.memref_slice %arg4[%dma_start3A_28, %dma_start3A_29] : memref<1000001x32xf32, #tpu.memory_space<hbm>> -> memref<1000001x128xf32, #tpu.memory_space<hbm>>
    tpu.enqueue_indirect_dma source(%dma_start3A_30 : memref<1000001x128xf32, #tpu.memory_space<hbm>>) target(%dma_start3A_25 : memref<128x128xf32, #tpu.memory_space<vmem>>) offsets(%dma_start3A_27 : memref<128xi32, #tpu.memory_space<vmem>>) semaphore(%arg14 : memref<!tpu.dma_semaphore, #tpu.memory_space<semaphore_mem>>)
    %dma_start3A_31 = arith.constant 128 : i32
    %dma_start3A_32 = arith.constant 0 : i32
    %dma_start3A_33 = tpu.memref_slice %arg11[%dma_start3A_31, %dma_start3A_32] : memref<256x128xf32, #tpu.memory_space<vmem>> -> memref<128x128xf32, #tpu.memory_space<vmem>>
    %dma_start3A_34 = arith.constant 128 : i32
    %dma_start3A_35 = tpu.memref_slice %arg9[%dma_start3A_34] : memref<512xi32, #tpu.memory_space<vmem>> -> memref<128xi32, #tpu.memory_space<vmem>>
    %dma_start3A_36 = arith.constant 0 : i32
    %dma_start3A_37 = arith.constant 0 : i32
    %dma_start3A_38 = tpu.memref_slice %arg5[%dma_start3A_36, %dma_start3A_37] : memref<100001x32xf32, #tpu.memory_space<hbm>> -> memref<100001x128xf32, #tpu.memory_space<hbm>>
    tpu.enqueue_indirect_dma source(%dma_start3A_38 : memref<100001x128xf32, #tpu.memory_space<hbm>>) target(%dma_start3A_33 : memref<128x128xf32, #tpu.memory_space<vmem>>) offsets(%dma_start3A_35 : memref<128xi32, #tpu.memory_space<vmem>>) semaphore(%arg14 : memref<!tpu.dma_semaphore, #tpu.memory_space<semaphore_mem>>)
    %dma_wait3A = arith.constant 0 : i32
    %dma_wait3A_39 = arith.constant 0 : i32
    %dma_wait3A_40 = tpu.memref_slice %arg10[%dma_wait3A, %dma_wait3A_39] : memref<256x128xf32, #tpu.memory_space<vmem>> -> memref<128x128xf32, #tpu.memory_space<vmem>>
    %dma_wait3A_41 = arith.constant 0 : i32
    %dma_wait3A_42 = tpu.memref_slice %arg8[%dma_wait3A_41] : memref<512xi32, #tpu.memory_space<vmem>> -> memref<128xi32, #tpu.memory_space<vmem>>
    %dma_wait3A_43 = arith.constant 0 : i32
    %dma_wait3A_44 = arith.constant 0 : i32
    %dma_wait3A_45 = tpu.memref_slice %arg4[%dma_wait3A_43, %dma_wait3A_44] : memref<1000001x32xf32, #tpu.memory_space<hbm>> -> memref<1000001x128xf32, #tpu.memory_space<hbm>>
    tpu.wait_indirect_dma semaphore(%arg14 : memref<!tpu.dma_semaphore, #tpu.memory_space<semaphore_mem>>) src(%dma_wait3A_45 : memref<1000001x128xf32, #tpu.memory_space<hbm>>) dst(%dma_wait3A_40 : memref<128x128xf32, #tpu.memory_space<vmem>>)
    %dma_wait3A_46 = arith.constant 0 : i32
    %dma_wait3A_47 = arith.constant 0 : i32
    %dma_wait3A_48 = tpu.memref_slice %arg11[%dma_wait3A_46, %dma_wait3A_47] : memref<256x128xf32, #tpu.memory_space<vmem>> -> memref<128x128xf32, #tpu.memory_space<vmem>>
    %dma_wait3A_49 = arith.constant 0 : i32
    %dma_wait3A_50 = tpu.memref_slice %arg9[%dma_wait3A_49] : memref<512xi32, #tpu.memory_space<vmem>> -> memref<128xi32, #tpu.memory_space<vmem>>
    %dma_wait3A_51 = arith.constant 0 : i32
    %dma_wait3A_52 = arith.constant 0 : i32
    %dma_wait3A_53 = tpu.memref_slice %arg5[%dma_wait3A_51, %dma_wait3A_52] : memref<100001x32xf32, #tpu.memory_space<hbm>> -> memref<100001x128xf32, #tpu.memory_space<hbm>>
    tpu.wait_indirect_dma semaphore(%arg14 : memref<!tpu.dma_semaphore, #tpu.memory_space<semaphore_mem>>) src(%dma_wait3A_53 : memref<100001x128xf32, #tpu.memory_space<hbm>>) dst(%dma_wait3A_48 : memref<128x128xf32, #tpu.memory_space<vmem>>)
    %dma_wait3A_54 = arith.constant 128 : i32
    %dma_wait3A_55 = arith.constant 0 : i32
    %dma_wait3A_56 = tpu.memref_slice %arg10[%dma_wait3A_54, %dma_wait3A_55] : memref<256x128xf32, #tpu.memory_space<vmem>> -> memref<128x128xf32, #tpu.memory_space<vmem>>
    %dma_wait3A_57 = arith.constant 128 : i32
    %dma_wait3A_58 = tpu.memref_slice %arg8[%dma_wait3A_57] : memref<512xi32, #tpu.memory_space<vmem>> -> memref<128xi32, #tpu.memory_space<vmem>>
    %dma_wait3A_59 = arith.constant 0 : i32
    %dma_wait3A_60 = arith.constant 0 : i32
    %dma_wait3A_61 = tpu.memref_slice %arg4[%dma_wait3A_59, %dma_wait3A_60] : memref<1000001x32xf32, #tpu.memory_space<hbm>> -> memref<1000001x128xf32, #tpu.memory_space<hbm>>
    tpu.wait_indirect_dma semaphore(%arg14 : memref<!tpu.dma_semaphore, #tpu.memory_space<semaphore_mem>>) src(%dma_wait3A_61 : memref<1000001x128xf32, #tpu.memory_space<hbm>>) dst(%dma_wait3A_56 : memref<128x128xf32, #tpu.memory_space<vmem>>)
    %dma_wait3A_62 = arith.constant 128 : i32
    %dma_wait3A_63 = arith.constant 0 : i32
    %dma_wait3A_64 = tpu.memref_slice %arg11[%dma_wait3A_62, %dma_wait3A_63] : memref<256x128xf32, #tpu.memory_space<vmem>> -> memref<128x128xf32, #tpu.memory_space<vmem>>
    %dma_wait3A_65 = arith.constant 128 : i32
    %dma_wait3A_66 = tpu.memref_slice %arg9[%dma_wait3A_65] : memref<512xi32, #tpu.memory_space<vmem>> -> memref<128xi32, #tpu.memory_space<vmem>>
    %dma_wait3A_67 = arith.constant 0 : i32
    %dma_wait3A_68 = arith.constant 0 : i32
    %dma_wait3A_69 = tpu.memref_slice %arg5[%dma_wait3A_67, %dma_wait3A_68] : memref<100001x32xf32, #tpu.memory_space<hbm>> -> memref<100001x128xf32, #tpu.memory_space<hbm>>
    tpu.wait_indirect_dma semaphore(%arg14 : memref<!tpu.dma_semaphore, #tpu.memory_space<semaphore_mem>>) src(%dma_wait3A_69 : memref<100001x128xf32, #tpu.memory_space<hbm>>) dst(%dma_wait3A_64 : memref<128x128xf32, #tpu.memory_space<vmem>>)
    %scan3A = arith.constant 0 : i32
    %scan3A_70 = arith.constant 0 : i32
    %scan3A_71 = arith.constant 16 : i32
    %scan3A_72 = arith.addi %scan3A_70, %scan3A_71 : i32
    %scan3A_73 = arith.constant 1 : i32
    scf.for %scan3A_145 = %scan3A_70 to %scan3A_72 step %scan3A_73  : i32 {
      %mul3A_146 = arith.constant 16 : i32
      %mul3A_147 = arith.muli %scan3A_145, %mul3A_146 : i32
      %multiple_of3A_148 = tpu.assume_multiple %mul3A_147, 16 : i32
      %broadcast_in_dim3A = arith.constant 0.000000e+00 : f32
      %broadcast_in_dim3A_149 = vector.broadcast %broadcast_in_dim3A : f32 to vector<16xf32>
      %add3A_150 = arith.constant 0 : i32
      %add3A_151 = arith.addi %multiple_of3A_148, %add3A_150 : i32
      %get3A_152 = arith.index_cast %add3A_151 : i32 to index
      %get3A_153 = arith.constant 0 : index
      %get3A_154 = tpu.vector_load %arg10[%get3A_152, %get3A_153] {strides = array<i32>} : memref<256x128xf32, #tpu.memory_space<vmem>>, vector<16xf32>,
      %get3A_155 = arith.index_cast %add3A_151 : i32 to index
      %get3A_156 = arith.constant 16 : index
      %get3A_157 = tpu.vector_load %arg10[%get3A_155, %get3A_156] {strides = array<i32>} : memref<256x128xf32, #tpu.memory_space<vmem>>, vector<16xf32>,
      %get3A_158 = arith.index_cast %add3A_151 : i32 to index
      %get3A_159 = arith.constant 0 : index
      %get3A_160 = tpu.vector_load %arg11[%get3A_158, %get3A_159] {strides = array<i32>} : memref<256x128xf32, #tpu.memory_space<vmem>>, vector<16xf32>,
      %get3A_161 = arith.index_cast %add3A_151 : i32 to index
      %get3A_162 = arith.constant 16 : index
      %get3A_163 = tpu.vector_load %arg11[%get3A_161, %get3A_162] {strides = array<i32>} : memref<256x128xf32, #tpu.memory_space<vmem>>, vector<16xf32>,
      %mul3A_164 = arith.mulf %get3A_154, %get3A_160 : vector<16xf32>
      %mul3A_165 = arith.mulf %mul3A_164, %get3A_3 : vector<16xf32>
      %mul3A_166 = arith.mulf %get3A_157, %get3A_163 : vector<16xf32>
      %mul3A_167 = arith.mulf %mul3A_166, %get3A_5 : vector<16xf32>
      %add3A_168 = arith.addf %mul3A_165, %mul3A_167 : vector<16xf32>
      %reduce_sum3A = arith.constant true
      %reduce_sum3A_169 = vector.broadcast %reduce_sum3A : i1 to vector<16xi1>
      %reduce_sum3A_170 = tpu.scan <sum>, %add3A_168 masked %reduce_sum3A_169 : vector<16xf32>, vector<16xi1> -> vector<16xf32>
      %reduce_sum3A_171 = vector.extract %reduce_sum3A_170[15] : f32 from vector<16xf32>
      %eq3A = arith.constant 0 : i32
      %eq3A_172 = vector.broadcast %eq3A : i32 to vector<16xi32>
      %eq3A_173 = arith.cmpi eq, %iota3A, %eq3A_172 : vector<16xi32>
      %broadcast_in_dim3A_174 = vector.broadcast %reduce_sum3A_171 : f32 to vector<16xf32>
      %select_n3A = arith.select %eq3A_173, %broadcast_in_dim3A_174, %broadcast_in_dim3A_149 : vector<16xi1>, vector<16xf32>
      %add3A_175 = arith.constant 1 : i32
      %add3A_176 = arith.addi %multiple_of3A_148, %add3A_175 : i32
      %get3A_177 = arith.index_cast %add3A_176 : i32 to index
      %get3A_178 = arith.constant 0 : index
      %get3A_179 = tpu.vector_load %arg10[%get3A_177, %get3A_178] {strides = array<i32>} : memref<256x128xf32, #tpu.memory_space<vmem>>, vector<16xf32>,
      %get3A_180 = arith.index_cast %add3A_176 : i32 to index
      %get3A_181 = arith.constant 16 : index
      %get3A_182 = tpu.vector_load %arg10[%get3A_180, %get3A_181] {strides = array<i32>} : memref<256x128xf32, #tpu.memory_space<vmem>>, vector<16xf32>,
      %get3A_183 = arith.index_cast %add3A_176 : i32 to index
      %get3A_184 = arith.constant 0 : index
      %get3A_185 = tpu.vector_load %arg11[%get3A_183, %get3A_184] {strides = array<i32>} : memref<256x128xf32, #tpu.memory_space<vmem>>, vector<16xf32>,
      %get3A_186 = arith.index_cast %add3A_176 : i32 to index
      %get3A_187 = arith.constant 16 : index
      %get3A_188 = tpu.vector_load %arg11[%get3A_186, %get3A_187] {strides = array<i32>} : memref<256x128xf32, #tpu.memory_space<vmem>>, vector<16xf32>,
      %mul3A_189 = arith.mulf %get3A_179, %get3A_185 : vector<16xf32>
      %mul3A_190 = arith.mulf %mul3A_189, %get3A_3 : vector<16xf32>
      %mul3A_191 = arith.mulf %get3A_182, %get3A_188 : vector<16xf32>
      %mul3A_192 = arith.mulf %mul3A_191, %get3A_5 : vector<16xf32>
      %add3A_193 = arith.addf %mul3A_190, %mul3A_192 : vector<16xf32>
      %reduce_sum3A_194 = arith.constant true
      %reduce_sum3A_195 = vector.broadcast %reduce_sum3A_194 : i1 to vector<16xi1>
      %reduce_sum3A_196 = tpu.scan <sum>, %add3A_193 masked %reduce_sum3A_195 : vector<16xf32>, vector<16xi1> -> vector<16xf32>
      %reduce_sum3A_197 = vector.extract %reduce_sum3A_196[15] : f32 from vector<16xf32>
      %eq3A_198 = arith.constant 1 : i32
      %eq3A_199 = vector.broadcast %eq3A_198 : i32 to vector<16xi32>
      %eq3A_200 = arith.cmpi eq, %iota3A, %eq3A_199 : vector<16xi32>
      %broadcast_in_dim3A_201 = vector.broadcast %reduce_sum3A_197 : f32 to vector<16xf32>
      %select_n3A_202 = arith.select %eq3A_200, %broadcast_in_dim3A_201, %select_n3A : vector<16xi1>, vector<16xf32>
      %add3A_203 = arith.constant 2 : i32
      %add3A_204 = arith.addi %multiple_of3A_148, %add3A_203 : i32
      %get3A_205 = arith.index_cast %add3A_204 : i32 to index
      %get3A_206 = arith.constant 0 : index
      %get3A_207 = tpu.vector_load %arg10[%get3A_205, %get3A_206] {strides = array<i32>} : memref<256x128xf32, #tpu.memory_space<vmem>>, vector<16xf32>,
      %get3A_208 = arith.index_cast %add3A_204 : i32 to index
      %get3A_209 = arith.constant 16 : index
      %get3A_210 = tpu.vector_load %arg10[%get3A_208, %get3A_209] {strides = array<i32>} : memref<256x128xf32, #tpu.memory_space<vmem>>, vector<16xf32>,
      %get3A_211 = arith.index_cast %add3A_204 : i32 to index
      %get3A_212 = arith.constant 0 : index
      %get3A_213 = tpu.vector_load %arg11[%get3A_211, %get3A_212] {strides = array<i32>} : memref<256x128xf32, #tpu.memory_space<vmem>>, vector<16xf32>,
      %get3A_214 = arith.index_cast %add3A_204 : i32 to index
      %get3A_215 = arith.constant 16 : index
      %get3A_216 = tpu.vector_load %arg11[%get3A_214, %get3A_215] {strides = array<i32>} : memref<256x128xf32, #tpu.memory_space<vmem>>, vector<16xf32>,
      %mul3A_217 = arith.mulf %get3A_207, %get3A_213 : vector<16xf32>
      %mul3A_218 = arith.mulf %mul3A_217, %get3A_3 : vector<16xf32>
      %mul3A_219 = arith.mulf %get3A_210, %get3A_216 : vector<16xf32>
      %mul3A_220 = arith.mulf %mul3A_219, %get3A_5 : vector<16xf32>
      %add3A_221 = arith.addf %mul3A_218, %mul3A_220 : vector<16xf32>
      %reduce_sum3A_222 = arith.constant true
      %reduce_sum3A_223 = vector.broadcast %reduce_sum3A_222 : i1 to vector<16xi1>
      %reduce_sum3A_224 = tpu.scan <sum>, %add3A_221 masked %reduce_sum3A_223 : vector<16xf32>, vector<16xi1> -> vector<16xf32>
      %reduce_sum3A_225 = vector.extract %reduce_sum3A_224[15] : f32 from vector<16xf32>
      %eq3A_226 = arith.constant 2 : i32
      %eq3A_227 = vector.broadcast %eq3A_226 : i32 to vector<16xi32>
      %eq3A_228 = arith.cmpi eq, %iota3A, %eq3A_227 : vector<16xi32>
      %broadcast_in_dim3A_229 = vector.broadcast %reduce_sum3A_225 : f32 to vector<16xf32>
      %select_n3A_230 = arith.select %eq3A_228, %broadcast_in_dim3A_229, %select_n3A_202 : vector<16xi1>, vector<16xf32>
      %add3A_231 = arith.constant 3 : i32
      %add3A_232 = arith.addi %multiple_of3A_148, %add3A_231 : i32
      %get3A_233 = arith.index_cast %add3A_232 : i32 to index
      %get3A_234 = arith.constant 0 : index
      %get3A_235 = tpu.vector_load %arg10[%get3A_233, %get3A_234] {strides = array<i32>} : memref<256x128xf32, #tpu.memory_space<vmem>>, vector<16xf32>,
      %get3A_236 = arith.index_cast %add3A_232 : i32 to index
      %get3A_237 = arith.constant 16 : index
      %get3A_238 = tpu.vector_load %arg10[%get3A_236, %get3A_237] {strides = array<i32>} : memref<256x128xf32, #tpu.memory_space<vmem>>, vector<16xf32>,
      %get3A_239 = arith.index_cast %add3A_232 : i32 to index
      %get3A_240 = arith.constant 0 : index
      %get3A_241 = tpu.vector_load %arg11[%get3A_239, %get3A_240] {strides = array<i32>} : memref<256x128xf32, #tpu.memory_space<vmem>>, vector<16xf32>,
      %get3A_242 = arith.index_cast %add3A_232 : i32 to index
      %get3A_243 = arith.constant 16 : index
      %get3A_244 = tpu.vector_load %arg11[%get3A_242, %get3A_243] {strides = array<i32>} : memref<256x128xf32, #tpu.memory_space<vmem>>, vector<16xf32>,
      %mul3A_245 = arith.mulf %get3A_235, %get3A_241 : vector<16xf32>
      %mul3A_246 = arith.mulf %mul3A_245, %get3A_3 : vector<16xf32>
      %mul3A_247 = arith.mulf %get3A_238, %get3A_244 : vector<16xf32>
      %mul3A_248 = arith.mulf %mul3A_247, %get3A_5 : vector<16xf32>
      %add3A_249 = arith.addf %mul3A_246, %mul3A_248 : vector<16xf32>
      %reduce_sum3A_250 = arith.constant true
      %reduce_sum3A_251 = vector.broadcast %reduce_sum3A_250 : i1 to vector<16xi1>
      %reduce_sum3A_252 = tpu.scan <sum>, %add3A_249 masked %reduce_sum3A_251 : vector<16xf32>, vector<16xi1> -> vector<16xf32>
      %reduce_sum3A_253 = vector.extract %reduce_sum3A_252[15] : f32 from vector<16xf32>
      %eq3A_254 = arith.constant 3 : i32
      %eq3A_255 = vector.broadcast %eq3A_254 : i32 to vector<16xi32>
      %eq3A_256 = arith.cmpi eq, %iota3A, %eq3A_255 : vector<16xi32>
      %broadcast_in_dim3A_257 = vector.broadcast %reduce_sum3A_253 : f32 to vector<16xf32>
      %select_n3A_258 = arith.select %eq3A_256, %broadcast_in_dim3A_257, %select_n3A_230 : vector<16xi1>, vector<16xf32>
      %add3A_259 = arith.constant 4 : i32
      %add3A_260 = arith.addi %multiple_of3A_148, %add3A_259 : i32
      %get3A_261 = arith.index_cast %add3A_260 : i32 to index
      %get3A_262 = arith.constant 0 : index
      %get3A_263 = tpu.vector_load %arg10[%get3A_261, %get3A_262] {strides = array<i32>} : memref<256x128xf32, #tpu.memory_space<vmem>>, vector<16xf32>,
      %get3A_264 = arith.index_cast %add3A_260 : i32 to index
      %get3A_265 = arith.constant 16 : index
      %get3A_266 = tpu.vector_load %arg10[%get3A_264, %get3A_265] {strides = array<i32>} : memref<256x128xf32, #tpu.memory_space<vmem>>, vector<16xf32>,
      %get3A_267 = arith.index_cast %add3A_260 : i32 to index
      %get3A_268 = arith.constant 0 : index
      %get3A_269 = tpu.vector_load %arg11[%get3A_267, %get3A_268] {strides = array<i32>} : memref<256x128xf32, #tpu.memory_space<vmem>>, vector<16xf32>,
      %get3A_270 = arith.index_cast %add3A_260 : i32 to index
      %get3A_271 = arith.constant 16 : index
      %get3A_272 = tpu.vector_load %arg11[%get3A_270, %get3A_271] {strides = array<i32>} : memref<256x128xf32, #tpu.memory_space<vmem>>, vector<16xf32>,
      %mul3A_273 = arith.mulf %get3A_263, %get3A_269 : vector<16xf32>
      %mul3A_274 = arith.mulf %mul3A_273, %get3A_3 : vector<16xf32>
      %mul3A_275 = arith.mulf %get3A_266, %get3A_272 : vector<16xf32>
      %mul3A_276 = arith.mulf %mul3A_275, %get3A_5 : vector<16xf32>
      %add3A_277 = arith.addf %mul3A_274, %mul3A_276 : vector<16xf32>
      %reduce_sum3A_278 = arith.constant true
      %reduce_sum3A_279 = vector.broadcast %reduce_sum3A_278 : i1 to vector<16xi1>
      %reduce_sum3A_280 = tpu.scan <sum>, %add3A_277 masked %reduce_sum3A_279 : vector<16xf32>, vector<16xi1> -> vector<16xf32>
      %reduce_sum3A_281 = vector.extract %reduce_sum3A_280[15] : f32 from vector<16xf32>
      %eq3A_282 = arith.constant 4 : i32
      %eq3A_283 = vector.broadcast %eq3A_282 : i32 to vector<16xi32>
      %eq3A_284 = arith.cmpi eq, %iota3A, %eq3A_283 : vector<16xi32>
      %broadcast_in_dim3A_285 = vector.broadcast %reduce_sum3A_281 : f32 to vector<16xf32>
      %select_n3A_286 = arith.select %eq3A_284, %broadcast_in_dim3A_285, %select_n3A_258 : vector<16xi1>, vector<16xf32>
      %add3A_287 = arith.constant 5 : i32
      %add3A_288 = arith.addi %multiple_of3A_148, %add3A_287 : i32
      %get3A_289 = arith.index_cast %add3A_288 : i32 to index
      %get3A_290 = arith.constant 0 : index
      %get3A_291 = tpu.vector_load %arg10[%get3A_289, %get3A_290] {strides = array<i32>} : memref<256x128xf32, #tpu.memory_space<vmem>>, vector<16xf32>,
      %get3A_292 = arith.index_cast %add3A_288 : i32 to index
      %get3A_293 = arith.constant 16 : index
      %get3A_294 = tpu.vector_load %arg10[%get3A_292, %get3A_293] {strides = array<i32>} : memref<256x128xf32, #tpu.memory_space<vmem>>, vector<16xf32>,
      %get3A_295 = arith.index_cast %add3A_288 : i32 to index
      %get3A_296 = arith.constant 0 : index
      %get3A_297 = tpu.vector_load %arg11[%get3A_295, %get3A_296] {strides = array<i32>} : memref<256x128xf32, #tpu.memory_space<vmem>>, vector<16xf32>,
      %get3A_298 = arith.index_cast %add3A_288 : i32 to index
      %get3A_299 = arith.constant 16 : index
      %get3A_300 = tpu.vector_load %arg11[%get3A_298, %get3A_299] {strides = array<i32>} : memref<256x128xf32, #tpu.memory_space<vmem>>, vector<16xf32>,
      %mul3A_301 = arith.mulf %get3A_291, %get3A_297 : vector<16xf32>
      %mul3A_302 = arith.mulf %mul3A_301, %get3A_3 : vector<16xf32>
      %mul3A_303 = arith.mulf %get3A_294, %get3A_300 : vector<16xf32>
      %mul3A_304 = arith.mulf %mul3A_303, %get3A_5 : vector<16xf32>
      %add3A_305 = arith.addf %mul3A_302, %mul3A_304 : vector<16xf32>
      %reduce_sum3A_306 = arith.constant true
      %reduce_sum3A_307 = vector.broadcast %reduce_sum3A_306 : i1 to vector<16xi1>
      %reduce_sum3A_308 = tpu.scan <sum>, %add3A_305 masked %reduce_sum3A_307 : vector<16xf32>, vector<16xi1> -> vector<16xf32>
      %reduce_sum3A_309 = vector.extract %reduce_sum3A_308[15] : f32 from vector<16xf32>
      %eq3A_310 = arith.constant 5 : i32
      %eq3A_311 = vector.broadcast %eq3A_310 : i32 to vector<16xi32>
      %eq3A_312 = arith.cmpi eq, %iota3A, %eq3A_311 : vector<16xi32>
      %broadcast_in_dim3A_313 = vector.broadcast %reduce_sum3A_309 : f32 to vector<16xf32>
      %select_n3A_314 = arith.select %eq3A_312, %broadcast_in_dim3A_313, %select_n3A_286 : vector<16xi1>, vector<16xf32>
      %add3A_315 = arith.constant 6 : i32
      %add3A_316 = arith.addi %multiple_of3A_148, %add3A_315 : i32
      %get3A_317 = arith.index_cast %add3A_316 : i32 to index
      %get3A_318 = arith.constant 0 : index
      %get3A_319 = tpu.vector_load %arg10[%get3A_317, %get3A_318] {strides = array<i32>} : memref<256x128xf32, #tpu.memory_space<vmem>>, vector<16xf32>,
      %get3A_320 = arith.index_cast %add3A_316 : i32 to index
      %get3A_321 = arith.constant 16 : index
      %get3A_322 = tpu.vector_load %arg10[%get3A_320, %get3A_321] {strides = array<i32>} : memref<256x128xf32, #tpu.memory_space<vmem>>, vector<16xf32>,
      %get3A_323 = arith.index_cast %add3A_316 : i32 to index
      %get3A_324 = arith.constant 0 : index
      %get3A_325 = tpu.vector_load %arg11[%get3A_323, %get3A_324] {strides = array<i32>} : memref<256x128xf32, #tpu.memory_space<vmem>>, vector<16xf32>,
      %get3A_326 = arith.index_cast %add3A_316 : i32 to index
      %get3A_327 = arith.constant 16 : index
      %get3A_328 = tpu.vector_load %arg11[%get3A_326, %get3A_327] {strides = array<i32>} : memref<256x128xf32, #tpu.memory_space<vmem>>, vector<16xf32>,
      %mul3A_329 = arith.mulf %get3A_319, %get3A_325 : vector<16xf32>
      %mul3A_330 = arith.mulf %mul3A_329, %get3A_3 : vector<16xf32>
      %mul3A_331 = arith.mulf %get3A_322, %get3A_328 : vector<16xf32>
      %mul3A_332 = arith.mulf %mul3A_331, %get3A_5 : vector<16xf32>
      %add3A_333 = arith.addf %mul3A_330, %mul3A_332 : vector<16xf32>
      %reduce_sum3A_334 = arith.constant true
      %reduce_sum3A_335 = vector.broadcast %reduce_sum3A_334 : i1 to vector<16xi1>
      %reduce_sum3A_336 = tpu.scan <sum>, %add3A_333 masked %reduce_sum3A_335 : vector<16xf32>, vector<16xi1> -> vector<16xf32>
      %reduce_sum3A_337 = vector.extract %reduce_sum3A_336[15] : f32 from vector<16xf32>
      %eq3A_338 = arith.constant 6 : i32
      %eq3A_339 = vector.broadcast %eq3A_338 : i32 to vector<16xi32>
      %eq3A_340 = arith.cmpi eq, %iota3A, %eq3A_339 : vector<16xi32>
      %broadcast_in_dim3A_341 = vector.broadcast %reduce_sum3A_337 : f32 to vector<16xf32>
      %select_n3A_342 = arith.select %eq3A_340, %broadcast_in_dim3A_341, %select_n3A_314 : vector<16xi1>, vector<16xf32>
      %add3A_343 = arith.constant 7 : i32
      %add3A_344 = arith.addi %multiple_of3A_148, %add3A_343 : i32
      %get3A_345 = arith.index_cast %add3A_344 : i32 to index
      %get3A_346 = arith.constant 0 : index
      %get3A_347 = tpu.vector_load %arg10[%get3A_345, %get3A_346] {strides = array<i32>} : memref<256x128xf32, #tpu.memory_space<vmem>>, vector<16xf32>,
      %get3A_348 = arith.index_cast %add3A_344 : i32 to index
      %get3A_349 = arith.constant 16 : index
      %get3A_350 = tpu.vector_load %arg10[%get3A_348, %get3A_349] {strides = array<i32>} : memref<256x128xf32, #tpu.memory_space<vmem>>, vector<16xf32>,
      %get3A_351 = arith.index_cast %add3A_344 : i32 to index
      %get3A_352 = arith.constant 0 : index
      %get3A_353 = tpu.vector_load %arg11[%get3A_351, %get3A_352] {strides = array<i32>} : memref<256x128xf32, #tpu.memory_space<vmem>>, vector<16xf32>,
      %get3A_354 = arith.index_cast %add3A_344 : i32 to index
      %get3A_355 = arith.constant 16 : index
      %get3A_356 = tpu.vector_load %arg11[%get3A_354, %get3A_355] {strides = array<i32>} : memref<256x128xf32, #tpu.memory_space<vmem>>, vector<16xf32>,
      %mul3A_357 = arith.mulf %get3A_347, %get3A_353 : vector<16xf32>
      %mul3A_358 = arith.mulf %mul3A_357, %get3A_3 : vector<16xf32>
      %mul3A_359 = arith.mulf %get3A_350, %get3A_356 : vector<16xf32>
      %mul3A_360 = arith.mulf %mul3A_359, %get3A_5 : vector<16xf32>
      %add3A_361 = arith.addf %mul3A_358, %mul3A_360 : vector<16xf32>
      %reduce_sum3A_362 = arith.constant true
      %reduce_sum3A_363 = vector.broadcast %reduce_sum3A_362 : i1 to vector<16xi1>
      %reduce_sum3A_364 = tpu.scan <sum>, %add3A_361 masked %reduce_sum3A_363 : vector<16xf32>, vector<16xi1> -> vector<16xf32>
      %reduce_sum3A_365 = vector.extract %reduce_sum3A_364[15] : f32 from vector<16xf32>
      %eq3A_366 = arith.constant 7 : i32
      %eq3A_367 = vector.broadcast %eq3A_366 : i32 to vector<16xi32>
      %eq3A_368 = arith.cmpi eq, %iota3A, %eq3A_367 : vector<16xi32>
      %broadcast_in_dim3A_369 = vector.broadcast %reduce_sum3A_365 : f32 to vector<16xf32>
      %select_n3A_370 = arith.select %eq3A_368, %broadcast_in_dim3A_369, %select_n3A_342 : vector<16xi1>, vector<16xf32>
      %add3A_371 = arith.constant 8 : i32
      %add3A_372 = arith.addi %multiple_of3A_148, %add3A_371 : i32
      %get3A_373 = arith.index_cast %add3A_372 : i32 to index
      %get3A_374 = arith.constant 0 : index
      %get3A_375 = tpu.vector_load %arg10[%get3A_373, %get3A_374] {strides = array<i32>} : memref<256x128xf32, #tpu.memory_space<vmem>>, vector<16xf32>,
      %get3A_376 = arith.index_cast %add3A_372 : i32 to index
      %get3A_377 = arith.constant 16 : index
      %get3A_378 = tpu.vector_load %arg10[%get3A_376, %get3A_377] {strides = array<i32>} : memref<256x128xf32, #tpu.memory_space<vmem>>, vector<16xf32>,
      %get3A_379 = arith.index_cast %add3A_372 : i32 to index
      %get3A_380 = arith.constant 0 : index
      %get3A_381 = tpu.vector_load %arg11[%get3A_379, %get3A_380] {strides = array<i32>} : memref<256x128xf32, #tpu.memory_space<vmem>>, vector<16xf32>,
      %get3A_382 = arith.index_cast %add3A_372 : i32 to index
      %get3A_383 = arith.constant 16 : index
      %get3A_384 = tpu.vector_load %arg11[%get3A_382, %get3A_383] {strides = array<i32>} : memref<256x128xf32, #tpu.memory_space<vmem>>, vector<16xf32>,
      %mul3A_385 = arith.mulf %get3A_375, %get3A_381 : vector<16xf32>
      %mul3A_386 = arith.mulf %mul3A_385, %get3A_3 : vector<16xf32>
      %mul3A_387 = arith.mulf %get3A_378, %get3A_384 : vector<16xf32>
      %mul3A_388 = arith.mulf %mul3A_387, %get3A_5 : vector<16xf32>
      %add3A_389 = arith.addf %mul3A_386, %mul3A_388 : vector<16xf32>
      %reduce_sum3A_390 = arith.constant true
      %reduce_sum3A_391 = vector.broadcast %reduce_sum3A_390 : i1 to vector<16xi1>
      %reduce_sum3A_392 = tpu.scan <sum>, %add3A_389 masked %reduce_sum3A_391 : vector<16xf32>, vector<16xi1> -> vector<16xf32>
      %reduce_sum3A_393 = vector.extract %reduce_sum3A_392[15] : f32 from vector<16xf32>
      %eq3A_394 = arith.constant 8 : i32
      %eq3A_395 = vector.broadcast %eq3A_394 : i32 to vector<16xi32>
      %eq3A_396 = arith.cmpi eq, %iota3A, %eq3A_395 : vector<16xi32>
      %broadcast_in_dim3A_397 = vector.broadcast %reduce_sum3A_393 : f32 to vector<16xf32>
      %select_n3A_398 = arith.select %eq3A_396, %broadcast_in_dim3A_397, %select_n3A_370 : vector<16xi1>, vector<16xf32>
      %add3A_399 = arith.constant 9 : i32
      %add3A_400 = arith.addi %multiple_of3A_148, %add3A_399 : i32
      %get3A_401 = arith.index_cast %add3A_400 : i32 to index
      %get3A_402 = arith.constant 0 : index
      %get3A_403 = tpu.vector_load %arg10[%get3A_401, %get3A_402] {strides = array<i32>} : memref<256x128xf32, #tpu.memory_space<vmem>>, vector<16xf32>,
      %get3A_404 = arith.index_cast %add3A_400 : i32 to index
      %get3A_405 = arith.constant 16 : index
      %get3A_406 = tpu.vector_load %arg10[%get3A_404, %get3A_405] {strides = array<i32>} : memref<256x128xf32, #tpu.memory_space<vmem>>, vector<16xf32>,
      %get3A_407 = arith.index_cast %add3A_400 : i32 to index
      %get3A_408 = arith.constant 0 : index
      %get3A_409 = tpu.vector_load %arg11[%get3A_407, %get3A_408] {strides = array<i32>} : memref<256x128xf32, #tpu.memory_space<vmem>>, vector<16xf32>,
      %get3A_410 = arith.index_cast %add3A_400 : i32 to index
      %get3A_411 = arith.constant 16 : index
      %get3A_412 = tpu.vector_load %arg11[%get3A_410, %get3A_411] {strides = array<i32>} : memref<256x128xf32, #tpu.memory_space<vmem>>, vector<16xf32>,
      %mul3A_413 = arith.mulf %get3A_403, %get3A_409 : vector<16xf32>
      %mul3A_414 = arith.mulf %mul3A_413, %get3A_3 : vector<16xf32>
      %mul3A_415 = arith.mulf %get3A_406, %get3A_412 : vector<16xf32>
      %mul3A_416 = arith.mulf %mul3A_415, %get3A_5 : vector<16xf32>
      %add3A_417 = arith.addf %mul3A_414, %mul3A_416 : vector<16xf32>
      %reduce_sum3A_418 = arith.constant true
      %reduce_sum3A_419 = vector.broadcast %reduce_sum3A_418 : i1 to vector<16xi1>
      %reduce_sum3A_420 = tpu.scan <sum>, %add3A_417 masked %reduce_sum3A_419 : vector<16xf32>, vector<16xi1> -> vector<16xf32>
      %reduce_sum3A_421 = vector.extract %reduce_sum3A_420[15] : f32 from vector<16xf32>
      %eq3A_422 = arith.constant 9 : i32
      %eq3A_423 = vector.broadcast %eq3A_422 : i32 to vector<16xi32>
      %eq3A_424 = arith.cmpi eq, %iota3A, %eq3A_423 : vector<16xi32>
      %broadcast_in_dim3A_425 = vector.broadcast %reduce_sum3A_421 : f32 to vector<16xf32>
      %select_n3A_426 = arith.select %eq3A_424, %broadcast_in_dim3A_425, %select_n3A_398 : vector<16xi1>, vector<16xf32>
      %add3A_427 = arith.constant 10 : i32
      %add3A_428 = arith.addi %multiple_of3A_148, %add3A_427 : i32
      %get3A_429 = arith.index_cast %add3A_428 : i32 to index
      %get3A_430 = arith.constant 0 : index
      %get3A_431 = tpu.vector_load %arg10[%get3A_429, %get3A_430] {strides = array<i32>} : memref<256x128xf32, #tpu.memory_space<vmem>>, vector<16xf32>,
      %get3A_432 = arith.index_cast %add3A_428 : i32 to index
      %get3A_433 = arith.constant 16 : index
      %get3A_434 = tpu.vector_load %arg10[%get3A_432, %get3A_433] {strides = array<i32>} : memref<256x128xf32, #tpu.memory_space<vmem>>, vector<16xf32>,
      %get3A_435 = arith.index_cast %add3A_428 : i32 to index
      %get3A_436 = arith.constant 0 : index
      %get3A_437 = tpu.vector_load %arg11[%get3A_435, %get3A_436] {strides = array<i32>} : memref<256x128xf32, #tpu.memory_space<vmem>>, vector<16xf32>,
      %get3A_438 = arith.index_cast %add3A_428 : i32 to index
      %get3A_439 = arith.constant 16 : index
      %get3A_440 = tpu.vector_load %arg11[%get3A_438, %get3A_439] {strides = array<i32>} : memref<256x128xf32, #tpu.memory_space<vmem>>, vector<16xf32>,
      %mul3A_441 = arith.mulf %get3A_431, %get3A_437 : vector<16xf32>
      %mul3A_442 = arith.mulf %mul3A_441, %get3A_3 : vector<16xf32>
      %mul3A_443 = arith.mulf %get3A_434, %get3A_440 : vector<16xf32>
      %mul3A_444 = arith.mulf %mul3A_443, %get3A_5 : vector<16xf32>
      %add3A_445 = arith.addf %mul3A_442, %mul3A_444 : vector<16xf32>
      %reduce_sum3A_446 = arith.constant true
      %reduce_sum3A_447 = vector.broadcast %reduce_sum3A_446 : i1 to vector<16xi1>
      %reduce_sum3A_448 = tpu.scan <sum>, %add3A_445 masked %reduce_sum3A_447 : vector<16xf32>, vector<16xi1> -> vector<16xf32>
      %reduce_sum3A_449 = vector.extract %reduce_sum3A_448[15] : f32 from vector<16xf32>
      %eq3A_450 = arith.constant 10 : i32
      %eq3A_451 = vector.broadcast %eq3A_450 : i32 to vector<16xi32>
      %eq3A_452 = arith.cmpi eq, %iota3A, %eq3A_451 : vector<16xi32>
      %broadcast_in_dim3A_453 = vector.broadcast %reduce_sum3A_449 : f32 to vector<16xf32>
      %select_n3A_454 = arith.select %eq3A_452, %broadcast_in_dim3A_453, %select_n3A_426 : vector<16xi1>, vector<16xf32>
      %add3A_455 = arith.constant 11 : i32
      %add3A_456 = arith.addi %multiple_of3A_148, %add3A_455 : i32
      %get3A_457 = arith.index_cast %add3A_456 : i32 to index
      %get3A_458 = arith.constant 0 : index
      %get3A_459 = tpu.vector_load %arg10[%get3A_457, %get3A_458] {strides = array<i32>} : memref<256x128xf32, #tpu.memory_space<vmem>>, vector<16xf32>,
      %get3A_460 = arith.index_cast %add3A_456 : i32 to index
      %get3A_461 = arith.constant 16 : index
      %get3A_462 = tpu.vector_load %arg10[%get3A_460, %get3A_461] {strides = array<i32>} : memref<256x128xf32, #tpu.memory_space<vmem>>, vector<16xf32>,
      %get3A_463 = arith.index_cast %add3A_456 : i32 to index
      %get3A_464 = arith.constant 0 : index
      %get3A_465 = tpu.vector_load %arg11[%get3A_463, %get3A_464] {strides = array<i32>} : memref<256x128xf32, #tpu.memory_space<vmem>>, vector<16xf32>,
      %get3A_466 = arith.index_cast %add3A_456 : i32 to index
      %get3A_467 = arith.constant 16 : index
      %get3A_468 = tpu.vector_load %arg11[%get3A_466, %get3A_467] {strides = array<i32>} : memref<256x128xf32, #tpu.memory_space<vmem>>, vector<16xf32>,
      %mul3A_469 = arith.mulf %get3A_459, %get3A_465 : vector<16xf32>
      %mul3A_470 = arith.mulf %mul3A_469, %get3A_3 : vector<16xf32>
      %mul3A_471 = arith.mulf %get3A_462, %get3A_468 : vector<16xf32>
      %mul3A_472 = arith.mulf %mul3A_471, %get3A_5 : vector<16xf32>
      %add3A_473 = arith.addf %mul3A_470, %mul3A_472 : vector<16xf32>
      %reduce_sum3A_474 = arith.constant true
      %reduce_sum3A_475 = vector.broadcast %reduce_sum3A_474 : i1 to vector<16xi1>
      %reduce_sum3A_476 = tpu.scan <sum>, %add3A_473 masked %reduce_sum3A_475 : vector<16xf32>, vector<16xi1> -> vector<16xf32>
      %reduce_sum3A_477 = vector.extract %reduce_sum3A_476[15] : f32 from vector<16xf32>
      %eq3A_478 = arith.constant 11 : i32
      %eq3A_479 = vector.broadcast %eq3A_478 : i32 to vector<16xi32>
      %eq3A_480 = arith.cmpi eq, %iota3A, %eq3A_479 : vector<16xi32>
      %broadcast_in_dim3A_481 = vector.broadcast %reduce_sum3A_477 : f32 to vector<16xf32>
      %select_n3A_482 = arith.select %eq3A_480, %broadcast_in_dim3A_481, %select_n3A_454 : vector<16xi1>, vector<16xf32>
      %add3A_483 = arith.constant 12 : i32
      %add3A_484 = arith.addi %multiple_of3A_148, %add3A_483 : i32
      %get3A_485 = arith.index_cast %add3A_484 : i32 to index
      %get3A_486 = arith.constant 0 : index
      %get3A_487 = tpu.vector_load %arg10[%get3A_485, %get3A_486] {strides = array<i32>} : memref<256x128xf32, #tpu.memory_space<vmem>>, vector<16xf32>,
      %get3A_488 = arith.index_cast %add3A_484 : i32 to index
      %get3A_489 = arith.constant 16 : index
      %get3A_490 = tpu.vector_load %arg10[%get3A_488, %get3A_489] {strides = array<i32>} : memref<256x128xf32, #tpu.memory_space<vmem>>, vector<16xf32>,
      %get3A_491 = arith.index_cast %add3A_484 : i32 to index
      %get3A_492 = arith.constant 0 : index
      %get3A_493 = tpu.vector_load %arg11[%get3A_491, %get3A_492] {strides = array<i32>} : memref<256x128xf32, #tpu.memory_space<vmem>>, vector<16xf32>,
      %get3A_494 = arith.index_cast %add3A_484 : i32 to index
      %get3A_495 = arith.constant 16 : index
      %get3A_496 = tpu.vector_load %arg11[%get3A_494, %get3A_495] {strides = array<i32>} : memref<256x128xf32, #tpu.memory_space<vmem>>, vector<16xf32>,
      %mul3A_497 = arith.mulf %get3A_487, %get3A_493 : vector<16xf32>
      %mul3A_498 = arith.mulf %mul3A_497, %get3A_3 : vector<16xf32>
      %mul3A_499 = arith.mulf %get3A_490, %get3A_496 : vector<16xf32>
      %mul3A_500 = arith.mulf %mul3A_499, %get3A_5 : vector<16xf32>
      %add3A_501 = arith.addf %mul3A_498, %mul3A_500 : vector<16xf32>
      %reduce_sum3A_502 = arith.constant true
      %reduce_sum3A_503 = vector.broadcast %reduce_sum3A_502 : i1 to vector<16xi1>
      %reduce_sum3A_504 = tpu.scan <sum>, %add3A_501 masked %reduce_sum3A_503 : vector<16xf32>, vector<16xi1> -> vector<16xf32>
      %reduce_sum3A_505 = vector.extract %reduce_sum3A_504[15] : f32 from vector<16xf32>
      %eq3A_506 = arith.constant 12 : i32
      %eq3A_507 = vector.broadcast %eq3A_506 : i32 to vector<16xi32>
      %eq3A_508 = arith.cmpi eq, %iota3A, %eq3A_507 : vector<16xi32>
      %broadcast_in_dim3A_509 = vector.broadcast %reduce_sum3A_505 : f32 to vector<16xf32>
      %select_n3A_510 = arith.select %eq3A_508, %broadcast_in_dim3A_509, %select_n3A_482 : vector<16xi1>, vector<16xf32>
      %add3A_511 = arith.constant 13 : i32
      %add3A_512 = arith.addi %multiple_of3A_148, %add3A_511 : i32
      %get3A_513 = arith.index_cast %add3A_512 : i32 to index
      %get3A_514 = arith.constant 0 : index
      %get3A_515 = tpu.vector_load %arg10[%get3A_513, %get3A_514] {strides = array<i32>} : memref<256x128xf32, #tpu.memory_space<vmem>>, vector<16xf32>,
      %get3A_516 = arith.index_cast %add3A_512 : i32 to index
      %get3A_517 = arith.constant 16 : index
      %get3A_518 = tpu.vector_load %arg10[%get3A_516, %get3A_517] {strides = array<i32>} : memref<256x128xf32, #tpu.memory_space<vmem>>, vector<16xf32>,
      %get3A_519 = arith.index_cast %add3A_512 : i32 to index
      %get3A_520 = arith.constant 0 : index
      %get3A_521 = tpu.vector_load %arg11[%get3A_519, %get3A_520] {strides = array<i32>} : memref<256x128xf32, #tpu.memory_space<vmem>>, vector<16xf32>,
      %get3A_522 = arith.index_cast %add3A_512 : i32 to index
      %get3A_523 = arith.constant 16 : index
      %get3A_524 = tpu.vector_load %arg11[%get3A_522, %get3A_523] {strides = array<i32>} : memref<256x128xf32, #tpu.memory_space<vmem>>, vector<16xf32>,
      %mul3A_525 = arith.mulf %get3A_515, %get3A_521 : vector<16xf32>
      %mul3A_526 = arith.mulf %mul3A_525, %get3A_3 : vector<16xf32>
      %mul3A_527 = arith.mulf %get3A_518, %get3A_524 : vector<16xf32>
      %mul3A_528 = arith.mulf %mul3A_527, %get3A_5 : vector<16xf32>
      %add3A_529 = arith.addf %mul3A_526, %mul3A_528 : vector<16xf32>
      %reduce_sum3A_530 = arith.constant true
      %reduce_sum3A_531 = vector.broadcast %reduce_sum3A_530 : i1 to vector<16xi1>
      %reduce_sum3A_532 = tpu.scan <sum>, %add3A_529 masked %reduce_sum3A_531 : vector<16xf32>, vector<16xi1> -> vector<16xf32>
      %reduce_sum3A_533 = vector.extract %reduce_sum3A_532[15] : f32 from vector<16xf32>
      %eq3A_534 = arith.constant 13 : i32
      %eq3A_535 = vector.broadcast %eq3A_534 : i32 to vector<16xi32>
      %eq3A_536 = arith.cmpi eq, %iota3A, %eq3A_535 : vector<16xi32>
      %broadcast_in_dim3A_537 = vector.broadcast %reduce_sum3A_533 : f32 to vector<16xf32>
      %select_n3A_538 = arith.select %eq3A_536, %broadcast_in_dim3A_537, %select_n3A_510 : vector<16xi1>, vector<16xf32>
      %add3A_539 = arith.constant 14 : i32
      %add3A_540 = arith.addi %multiple_of3A_148, %add3A_539 : i32
      %get3A_541 = arith.index_cast %add3A_540 : i32 to index
      %get3A_542 = arith.constant 0 : index
      %get3A_543 = tpu.vector_load %arg10[%get3A_541, %get3A_542] {strides = array<i32>} : memref<256x128xf32, #tpu.memory_space<vmem>>, vector<16xf32>,
      %get3A_544 = arith.index_cast %add3A_540 : i32 to index
      %get3A_545 = arith.constant 16 : index
      %get3A_546 = tpu.vector_load %arg10[%get3A_544, %get3A_545] {strides = array<i32>} : memref<256x128xf32, #tpu.memory_space<vmem>>, vector<16xf32>,
      %get3A_547 = arith.index_cast %add3A_540 : i32 to index
      %get3A_548 = arith.constant 0 : index
      %get3A_549 = tpu.vector_load %arg11[%get3A_547, %get3A_548] {strides = array<i32>} : memref<256x128xf32, #tpu.memory_space<vmem>>, vector<16xf32>,
      %get3A_550 = arith.index_cast %add3A_540 : i32 to index
      %get3A_551 = arith.constant 16 : index
      %get3A_552 = tpu.vector_load %arg11[%get3A_550, %get3A_551] {strides = array<i32>} : memref<256x128xf32, #tpu.memory_space<vmem>>, vector<16xf32>,
      %mul3A_553 = arith.mulf %get3A_543, %get3A_549 : vector<16xf32>
      %mul3A_554 = arith.mulf %mul3A_553, %get3A_3 : vector<16xf32>
      %mul3A_555 = arith.mulf %get3A_546, %get3A_552 : vector<16xf32>
      %mul3A_556 = arith.mulf %mul3A_555, %get3A_5 : vector<16xf32>
      %add3A_557 = arith.addf %mul3A_554, %mul3A_556 : vector<16xf32>
      %reduce_sum3A_558 = arith.constant true
      %reduce_sum3A_559 = vector.broadcast %reduce_sum3A_558 : i1 to vector<16xi1>
      %reduce_sum3A_560 = tpu.scan <sum>, %add3A_557 masked %reduce_sum3A_559 : vector<16xf32>, vector<16xi1> -> vector<16xf32>
      %reduce_sum3A_561 = vector.extract %reduce_sum3A_560[15] : f32 from vector<16xf32>
      %eq3A_562 = arith.constant 14 : i32
      %eq3A_563 = vector.broadcast %eq3A_562 : i32 to vector<16xi32>
      %eq3A_564 = arith.cmpi eq, %iota3A, %eq3A_563 : vector<16xi32>
      %broadcast_in_dim3A_565 = vector.broadcast %reduce_sum3A_561 : f32 to vector<16xf32>
      %select_n3A_566 = arith.select %eq3A_564, %broadcast_in_dim3A_565, %select_n3A_538 : vector<16xi1>, vector<16xf32>
      %add3A_567 = arith.constant 15 : i32
      %add3A_568 = arith.addi %multiple_of3A_148, %add3A_567 : i32
      %get3A_569 = arith.index_cast %add3A_568 : i32 to index
      %get3A_570 = arith.constant 0 : index
      %get3A_571 = tpu.vector_load %arg10[%get3A_569, %get3A_570] {strides = array<i32>} : memref<256x128xf32, #tpu.memory_space<vmem>>, vector<16xf32>,
      %get3A_572 = arith.index_cast %add3A_568 : i32 to index
      %get3A_573 = arith.constant 16 : index
      %get3A_574 = tpu.vector_load %arg10[%get3A_572, %get3A_573] {strides = array<i32>} : memref<256x128xf32, #tpu.memory_space<vmem>>, vector<16xf32>,
      %get3A_575 = arith.index_cast %add3A_568 : i32 to index
      %get3A_576 = arith.constant 0 : index
      %get3A_577 = tpu.vector_load %arg11[%get3A_575, %get3A_576] {strides = array<i32>} : memref<256x128xf32, #tpu.memory_space<vmem>>, vector<16xf32>,
      %get3A_578 = arith.index_cast %add3A_568 : i32 to index
      %get3A_579 = arith.constant 16 : index
      %get3A_580 = tpu.vector_load %arg11[%get3A_578, %get3A_579] {strides = array<i32>} : memref<256x128xf32, #tpu.memory_space<vmem>>, vector<16xf32>,
      %mul3A_581 = arith.mulf %get3A_571, %get3A_577 : vector<16xf32>
      %mul3A_582 = arith.mulf %mul3A_581, %get3A_3 : vector<16xf32>
      %mul3A_583 = arith.mulf %get3A_574, %get3A_580 : vector<16xf32>
      %mul3A_584 = arith.mulf %mul3A_583, %get3A_5 : vector<16xf32>
      %add3A_585 = arith.addf %mul3A_582, %mul3A_584 : vector<16xf32>
      %reduce_sum3A_586 = arith.constant true
      %reduce_sum3A_587 = vector.broadcast %reduce_sum3A_586 : i1 to vector<16xi1>
      %reduce_sum3A_588 = tpu.scan <sum>, %add3A_585 masked %reduce_sum3A_587 : vector<16xf32>, vector<16xi1> -> vector<16xf32>
      %reduce_sum3A_589 = vector.extract %reduce_sum3A_588[15] : f32 from vector<16xf32>
      %eq3A_590 = arith.constant 15 : i32
      %eq3A_591 = vector.broadcast %eq3A_590 : i32 to vector<16xi32>
      %eq3A_592 = arith.cmpi eq, %iota3A, %eq3A_591 : vector<16xi32>
      %broadcast_in_dim3A_593 = vector.broadcast %reduce_sum3A_589 : f32 to vector<16xf32>
      %select_n3A_594 = arith.select %eq3A_592, %broadcast_in_dim3A_593, %select_n3A_566 : vector<16xi1>, vector<16xf32>
      %add3A_595 = vector.broadcast %squeeze3A : f32 to vector<16xf32>
      %add3A_596 = arith.addf %select_n3A_594, %add3A_595 : vector<16xf32>
      %neg3A = arith.constant 0.000000e+00 : f32
      %neg3A_597 = vector.broadcast %neg3A : f32 to vector<16xf32>
      %neg3A_598 = arith.subf %neg3A_597, %add3A_596 : vector<16xf32>
      %exp3A = math.exp %neg3A_598 : vector<16xf32>
      %add3A_599 = arith.constant 1.000000e+00 : f32
      %add3A_600 = vector.broadcast %add3A_599 : f32 to vector<16xf32>
      %add3A_601 = arith.addf %add3A_600, %exp3A : vector<16xf32>
      %div3A = arith.constant 1.000000e+00 : f32
      %div3A_602 = vector.broadcast %div3A : f32 to vector<16xf32>
      %div3A_603 = arith.divf %div3A_602, %add3A_601 : vector<16xf32>
      %add3A_604 = arith.addi %scan3A, %multiple_of3A_148 : i32
      %swap3A = arith.index_cast %add3A_604 : i32 to index
      %swap3A_605 = tpu.vector_load %arg13[%swap3A] {strides = array<i32>} : memref<512xf32, #tpu.memory_space<vmem>>, vector<16xf32>,
      tpu.vector_store %arg13[%swap3A], %div3A_603 {strides = array<i32>} : memref<512xf32, #tpu.memory_space<vmem>>, vector<16xf32>,
    }
    %scan3A_74 = arith.constant 16 : i32
    %dma_start3A_75 = arith.constant 0 : i32
    %dma_start3A_76 = arith.constant 0 : i32
    %dma_start3A_77 = tpu.memref_slice %arg10[%dma_start3A_75, %dma_start3A_76] : memref<256x128xf32, #tpu.memory_space<vmem>> -> memref<128x128xf32, #tpu.memory_space<vmem>>
    %dma_start3A_78 = arith.constant 256 : i32
    %dma_start3A_79 = tpu.memref_slice %arg8[%dma_start3A_78] : memref<512xi32, #tpu.memory_space<vmem>> -> memref<128xi32, #tpu.memory_space<vmem>>
    %dma_start3A_80 = arith.constant 0 : i32
    %dma_start3A_81 = arith.constant 0 : i32
    %dma_start3A_82 = tpu.memref_slice %arg4[%dma_start3A_80, %dma_start3A_81] : memref<1000001x32xf32, #tpu.memory_space<hbm>> -> memref<1000001x128xf32, #tpu.memory_space<hbm>>
    tpu.enqueue_indirect_dma source(%dma_start3A_82 : memref<1000001x128xf32, #tpu.memory_space<hbm>>) target(%dma_start3A_77 : memref<128x128xf32, #tpu.memory_space<vmem>>) offsets(%dma_start3A_79 : memref<128xi32, #tpu.memory_space<vmem>>) semaphore(%arg14 : memref<!tpu.dma_semaphore, #tpu.memory_space<semaphore_mem>>)
    %dma_start3A_83 = arith.constant 0 : i32
    %dma_start3A_84 = arith.constant 0 : i32
    %dma_start3A_85 = tpu.memref_slice %arg11[%dma_start3A_83, %dma_start3A_84] : memref<256x128xf32, #tpu.memory_space<vmem>> -> memref<128x128xf32, #tpu.memory_space<vmem>>
    %dma_start3A_86 = arith.constant 256 : i32
    %dma_start3A_87 = tpu.memref_slice %arg9[%dma_start3A_86] : memref<512xi32, #tpu.memory_space<vmem>> -> memref<128xi32, #tpu.memory_space<vmem>>
    %dma_start3A_88 = arith.constant 0 : i32
    %dma_start3A_89 = arith.constant 0 : i32
    %dma_start3A_90 = tpu.memref_slice %arg5[%dma_start3A_88, %dma_start3A_89] : memref<100001x32xf32, #tpu.memory_space<hbm>> -> memref<100001x128xf32, #tpu.memory_space<hbm>>
    tpu.enqueue_indirect_dma source(%dma_start3A_90 : memref<100001x128xf32, #tpu.memory_space<hbm>>) target(%dma_start3A_85 : memref<128x128xf32, #tpu.memory_space<vmem>>) offsets(%dma_start3A_87 : memref<128xi32, #tpu.memory_space<vmem>>) semaphore(%arg14 : memref<!tpu.dma_semaphore, #tpu.memory_space<semaphore_mem>>)
    %dma_start3A_91 = arith.constant 128 : i32
    %dma_start3A_92 = arith.constant 0 : i32
    %dma_start3A_93 = tpu.memref_slice %arg10[%dma_start3A_91, %dma_start3A_92] : memref<256x128xf32, #tpu.memory_space<vmem>> -> memref<128x128xf32, #tpu.memory_space<vmem>>
    %dma_start3A_94 = arith.constant 384 : i32
    %dma_start3A_95 = tpu.memref_slice %arg8[%dma_start3A_94] : memref<512xi32, #tpu.memory_space<vmem>> -> memref<128xi32, #tpu.memory_space<vmem>>
    %dma_start3A_96 = arith.constant 0 : i32
    %dma_start3A_97 = arith.constant 0 : i32
    %dma_start3A_98 = tpu.memref_slice %arg4[%dma_start3A_96, %dma_start3A_97] : memref<1000001x32xf32, #tpu.memory_space<hbm>> -> memref<1000001x128xf32, #tpu.memory_space<hbm>>
    tpu.enqueue_indirect_dma source(%dma_start3A_98 : memref<1000001x128xf32, #tpu.memory_space<hbm>>) target(%dma_start3A_93 : memref<128x128xf32, #tpu.memory_space<vmem>>) offsets(%dma_start3A_95 : memref<128xi32, #tpu.memory_space<vmem>>) semaphore(%arg14 : memref<!tpu.dma_semaphore, #tpu.memory_space<semaphore_mem>>)
    %dma_start3A_99 = arith.constant 128 : i32
    %dma_start3A_100 = arith.constant 0 : i32
    %dma_start3A_101 = tpu.memref_slice %arg11[%dma_start3A_99, %dma_start3A_100] : memref<256x128xf32, #tpu.memory_space<vmem>> -> memref<128x128xf32, #tpu.memory_space<vmem>>
    %dma_start3A_102 = arith.constant 384 : i32
    %dma_start3A_103 = tpu.memref_slice %arg9[%dma_start3A_102] : memref<512xi32, #tpu.memory_space<vmem>> -> memref<128xi32, #tpu.memory_space<vmem>>
    %dma_start3A_104 = arith.constant 0 : i32
    %dma_start3A_105 = arith.constant 0 : i32
    %dma_start3A_106 = tpu.memref_slice %arg5[%dma_start3A_104, %dma_start3A_105] : memref<100001x32xf32, #tpu.memory_space<hbm>> -> memref<100001x128xf32, #tpu.memory_space<hbm>>
    tpu.enqueue_indirect_dma source(%dma_start3A_106 : memref<100001x128xf32, #tpu.memory_space<hbm>>) target(%dma_start3A_101 : memref<128x128xf32, #tpu.memory_space<vmem>>) offsets(%dma_start3A_103 : memref<128xi32, #tpu.memory_space<vmem>>) semaphore(%arg14 : memref<!tpu.dma_semaphore, #tpu.memory_space<semaphore_mem>>)
    %dma_wait3A_107 = arith.constant 0 : i32
    %dma_wait3A_108 = arith.constant 0 : i32
    %dma_wait3A_109 = tpu.memref_slice %arg10[%dma_wait3A_107, %dma_wait3A_108] : memref<256x128xf32, #tpu.memory_space<vmem>> -> memref<128x128xf32, #tpu.memory_space<vmem>>
    %dma_wait3A_110 = arith.constant 256 : i32
    %dma_wait3A_111 = tpu.memref_slice %arg8[%dma_wait3A_110] : memref<512xi32, #tpu.memory_space<vmem>> -> memref<128xi32, #tpu.memory_space<vmem>>
    %dma_wait3A_112 = arith.constant 0 : i32
    %dma_wait3A_113 = arith.constant 0 : i32
    %dma_wait3A_114 = tpu.memref_slice %arg4[%dma_wait3A_112, %dma_wait3A_113] : memref<1000001x32xf32, #tpu.memory_space<hbm>> -> memref<1000001x128xf32, #tpu.memory_space<hbm>>
    tpu.wait_indirect_dma semaphore(%arg14 : memref<!tpu.dma_semaphore, #tpu.memory_space<semaphore_mem>>) src(%dma_wait3A_114 : memref<1000001x128xf32, #tpu.memory_space<hbm>>) dst(%dma_wait3A_109 : memref<128x128xf32, #tpu.memory_space<vmem>>)
    %dma_wait3A_115 = arith.constant 0 : i32
    %dma_wait3A_116 = arith.constant 0 : i32
    %dma_wait3A_117 = tpu.memref_slice %arg11[%dma_wait3A_115, %dma_wait3A_116] : memref<256x128xf32, #tpu.memory_space<vmem>> -> memref<128x128xf32, #tpu.memory_space<vmem>>
    %dma_wait3A_118 = arith.constant 256 : i32
    %dma_wait3A_119 = tpu.memref_slice %arg9[%dma_wait3A_118] : memref<512xi32, #tpu.memory_space<vmem>> -> memref<128xi32, #tpu.memory_space<vmem>>
    %dma_wait3A_120 = arith.constant 0 : i32
    %dma_wait3A_121 = arith.constant 0 : i32
    %dma_wait3A_122 = tpu.memref_slice %arg5[%dma_wait3A_120, %dma_wait3A_121] : memref<100001x32xf32, #tpu.memory_space<hbm>> -> memref<100001x128xf32, #tpu.memory_space<hbm>>
    tpu.wait_indirect_dma semaphore(%arg14 : memref<!tpu.dma_semaphore, #tpu.memory_space<semaphore_mem>>) src(%dma_wait3A_122 : memref<100001x128xf32, #tpu.memory_space<hbm>>) dst(%dma_wait3A_117 : memref<128x128xf32, #tpu.memory_space<vmem>>)
    %dma_wait3A_123 = arith.constant 128 : i32
    %dma_wait3A_124 = arith.constant 0 : i32
    %dma_wait3A_125 = tpu.memref_slice %arg10[%dma_wait3A_123, %dma_wait3A_124] : memref<256x128xf32, #tpu.memory_space<vmem>> -> memref<128x128xf32, #tpu.memory_space<vmem>>
    %dma_wait3A_126 = arith.constant 384 : i32
    %dma_wait3A_127 = tpu.memref_slice %arg8[%dma_wait3A_126] : memref<512xi32, #tpu.memory_space<vmem>> -> memref<128xi32, #tpu.memory_space<vmem>>
    %dma_wait3A_128 = arith.constant 0 : i32
    %dma_wait3A_129 = arith.constant 0 : i32
    %dma_wait3A_130 = tpu.memref_slice %arg4[%dma_wait3A_128, %dma_wait3A_129] : memref<1000001x32xf32, #tpu.memory_space<hbm>> -> memref<1000001x128xf32, #tpu.memory_space<hbm>>
    tpu.wait_indirect_dma semaphore(%arg14 : memref<!tpu.dma_semaphore, #tpu.memory_space<semaphore_mem>>) src(%dma_wait3A_130 : memref<1000001x128xf32, #tpu.memory_space<hbm>>) dst(%dma_wait3A_125 : memref<128x128xf32, #tpu.memory_space<vmem>>)
    %dma_wait3A_131 = arith.constant 128 : i32
    %dma_wait3A_132 = arith.constant 0 : i32
    %dma_wait3A_133 = tpu.memref_slice %arg11[%dma_wait3A_131, %dma_wait3A_132] : memref<256x128xf32, #tpu.memory_space<vmem>> -> memref<128x128xf32, #tpu.memory_space<vmem>>
    %dma_wait3A_134 = arith.constant 384 : i32
    %dma_wait3A_135 = tpu.memref_slice %arg9[%dma_wait3A_134] : memref<512xi32, #tpu.memory_space<vmem>> -> memref<128xi32, #tpu.memory_space<vmem>>
    %dma_wait3A_136 = arith.constant 0 : i32
    %dma_wait3A_137 = arith.constant 0 : i32
    %dma_wait3A_138 = tpu.memref_slice %arg5[%dma_wait3A_136, %dma_wait3A_137] : memref<100001x32xf32, #tpu.memory_space<hbm>> -> memref<100001x128xf32, #tpu.memory_space<hbm>>
    tpu.wait_indirect_dma semaphore(%arg14 : memref<!tpu.dma_semaphore, #tpu.memory_space<semaphore_mem>>) src(%dma_wait3A_138 : memref<100001x128xf32, #tpu.memory_space<hbm>>) dst(%dma_wait3A_133 : memref<128x128xf32, #tpu.memory_space<vmem>>)
    %scan3A_139 = arith.constant 256 : i32
    %scan3A_140 = arith.constant 0 : i32
    %scan3A_141 = arith.constant 16 : i32
    %scan3A_142 = arith.addi %scan3A_140, %scan3A_141 : i32
    %scan3A_143 = arith.constant 1 : i32
    scf.for %scan3A_145 = %scan3A_140 to %scan3A_142 step %scan3A_143  : i32 {
      %mul3A_146 = arith.constant 16 : i32
      %mul3A_147 = arith.muli %scan3A_145, %mul3A_146 : i32
      %multiple_of3A_148 = tpu.assume_multiple %mul3A_147, 16 : i32
      %broadcast_in_dim3A = arith.constant 0.000000e+00 : f32
      %broadcast_in_dim3A_149 = vector.broadcast %broadcast_in_dim3A : f32 to vector<16xf32>
      %add3A_150 = arith.constant 0 : i32
      %add3A_151 = arith.addi %multiple_of3A_148, %add3A_150 : i32
      %get3A_152 = arith.index_cast %add3A_151 : i32 to index
      %get3A_153 = arith.constant 0 : index
      %get3A_154 = tpu.vector_load %arg10[%get3A_152, %get3A_153] {strides = array<i32>} : memref<256x128xf32, #tpu.memory_space<vmem>>, vector<16xf32>,
      %get3A_155 = arith.index_cast %add3A_151 : i32 to index
      %get3A_156 = arith.constant 16 : index
      %get3A_157 = tpu.vector_load %arg10[%get3A_155, %get3A_156] {strides = array<i32>} : memref<256x128xf32, #tpu.memory_space<vmem>>, vector<16xf32>,
      %get3A_158 = arith.index_cast %add3A_151 : i32 to index
      %get3A_159 = arith.constant 0 : index
      %get3A_160 = tpu.vector_load %arg11[%get3A_158, %get3A_159] {strides = array<i32>} : memref<256x128xf32, #tpu.memory_space<vmem>>, vector<16xf32>,
      %get3A_161 = arith.index_cast %add3A_151 : i32 to index
      %get3A_162 = arith.constant 16 : index
      %get3A_163 = tpu.vector_load %arg11[%get3A_161, %get3A_162] {strides = array<i32>} : memref<256x128xf32, #tpu.memory_space<vmem>>, vector<16xf32>,
      %mul3A_164 = arith.mulf %get3A_154, %get3A_160 : vector<16xf32>
      %mul3A_165 = arith.mulf %mul3A_164, %get3A_3 : vector<16xf32>
      %mul3A_166 = arith.mulf %get3A_157, %get3A_163 : vector<16xf32>
      %mul3A_167 = arith.mulf %mul3A_166, %get3A_5 : vector<16xf32>
      %add3A_168 = arith.addf %mul3A_165, %mul3A_167 : vector<16xf32>
      %reduce_sum3A = arith.constant true
      %reduce_sum3A_169 = vector.broadcast %reduce_sum3A : i1 to vector<16xi1>
      %reduce_sum3A_170 = tpu.scan <sum>, %add3A_168 masked %reduce_sum3A_169 : vector<16xf32>, vector<16xi1> -> vector<16xf32>
      %reduce_sum3A_171 = vector.extract %reduce_sum3A_170[15] : f32 from vector<16xf32>
      %eq3A = arith.constant 0 : i32
      %eq3A_172 = vector.broadcast %eq3A : i32 to vector<16xi32>
      %eq3A_173 = arith.cmpi eq, %iota3A, %eq3A_172 : vector<16xi32>
      %broadcast_in_dim3A_174 = vector.broadcast %reduce_sum3A_171 : f32 to vector<16xf32>
      %select_n3A = arith.select %eq3A_173, %broadcast_in_dim3A_174, %broadcast_in_dim3A_149 : vector<16xi1>, vector<16xf32>
      %add3A_175 = arith.constant 1 : i32
      %add3A_176 = arith.addi %multiple_of3A_148, %add3A_175 : i32
      %get3A_177 = arith.index_cast %add3A_176 : i32 to index
      %get3A_178 = arith.constant 0 : index
      %get3A_179 = tpu.vector_load %arg10[%get3A_177, %get3A_178] {strides = array<i32>} : memref<256x128xf32, #tpu.memory_space<vmem>>, vector<16xf32>,
      %get3A_180 = arith.index_cast %add3A_176 : i32 to index
      %get3A_181 = arith.constant 16 : index
      %get3A_182 = tpu.vector_load %arg10[%get3A_180, %get3A_181] {strides = array<i32>} : memref<256x128xf32, #tpu.memory_space<vmem>>, vector<16xf32>,
      %get3A_183 = arith.index_cast %add3A_176 : i32 to index
      %get3A_184 = arith.constant 0 : index
      %get3A_185 = tpu.vector_load %arg11[%get3A_183, %get3A_184] {strides = array<i32>} : memref<256x128xf32, #tpu.memory_space<vmem>>, vector<16xf32>,
      %get3A_186 = arith.index_cast %add3A_176 : i32 to index
      %get3A_187 = arith.constant 16 : index
      %get3A_188 = tpu.vector_load %arg11[%get3A_186, %get3A_187] {strides = array<i32>} : memref<256x128xf32, #tpu.memory_space<vmem>>, vector<16xf32>,
      %mul3A_189 = arith.mulf %get3A_179, %get3A_185 : vector<16xf32>
      %mul3A_190 = arith.mulf %mul3A_189, %get3A_3 : vector<16xf32>
      %mul3A_191 = arith.mulf %get3A_182, %get3A_188 : vector<16xf32>
      %mul3A_192 = arith.mulf %mul3A_191, %get3A_5 : vector<16xf32>
      %add3A_193 = arith.addf %mul3A_190, %mul3A_192 : vector<16xf32>
      %reduce_sum3A_194 = arith.constant true
      %reduce_sum3A_195 = vector.broadcast %reduce_sum3A_194 : i1 to vector<16xi1>
      %reduce_sum3A_196 = tpu.scan <sum>, %add3A_193 masked %reduce_sum3A_195 : vector<16xf32>, vector<16xi1> -> vector<16xf32>
      %reduce_sum3A_197 = vector.extract %reduce_sum3A_196[15] : f32 from vector<16xf32>
      %eq3A_198 = arith.constant 1 : i32
      %eq3A_199 = vector.broadcast %eq3A_198 : i32 to vector<16xi32>
      %eq3A_200 = arith.cmpi eq, %iota3A, %eq3A_199 : vector<16xi32>
      %broadcast_in_dim3A_201 = vector.broadcast %reduce_sum3A_197 : f32 to vector<16xf32>
      %select_n3A_202 = arith.select %eq3A_200, %broadcast_in_dim3A_201, %select_n3A : vector<16xi1>, vector<16xf32>
      %add3A_203 = arith.constant 2 : i32
      %add3A_204 = arith.addi %multiple_of3A_148, %add3A_203 : i32
      %get3A_205 = arith.index_cast %add3A_204 : i32 to index
      %get3A_206 = arith.constant 0 : index
      %get3A_207 = tpu.vector_load %arg10[%get3A_205, %get3A_206] {strides = array<i32>} : memref<256x128xf32, #tpu.memory_space<vmem>>, vector<16xf32>,
      %get3A_208 = arith.index_cast %add3A_204 : i32 to index
      %get3A_209 = arith.constant 16 : index
      %get3A_210 = tpu.vector_load %arg10[%get3A_208, %get3A_209] {strides = array<i32>} : memref<256x128xf32, #tpu.memory_space<vmem>>, vector<16xf32>,
      %get3A_211 = arith.index_cast %add3A_204 : i32 to index
      %get3A_212 = arith.constant 0 : index
      %get3A_213 = tpu.vector_load %arg11[%get3A_211, %get3A_212] {strides = array<i32>} : memref<256x128xf32, #tpu.memory_space<vmem>>, vector<16xf32>,
      %get3A_214 = arith.index_cast %add3A_204 : i32 to index
      %get3A_215 = arith.constant 16 : index
      %get3A_216 = tpu.vector_load %arg11[%get3A_214, %get3A_215] {strides = array<i32>} : memref<256x128xf32, #tpu.memory_space<vmem>>, vector<16xf32>,
      %mul3A_217 = arith.mulf %get3A_207, %get3A_213 : vector<16xf32>
      %mul3A_218 = arith.mulf %mul3A_217, %get3A_3 : vector<16xf32>
      %mul3A_219 = arith.mulf %get3A_210, %get3A_216 : vector<16xf32>
      %mul3A_220 = arith.mulf %mul3A_219, %get3A_5 : vector<16xf32>
      %add3A_221 = arith.addf %mul3A_218, %mul3A_220 : vector<16xf32>
      %reduce_sum3A_222 = arith.constant true
      %reduce_sum3A_223 = vector.broadcast %reduce_sum3A_222 : i1 to vector<16xi1>
      %reduce_sum3A_224 = tpu.scan <sum>, %add3A_221 masked %reduce_sum3A_223 : vector<16xf32>, vector<16xi1> -> vector<16xf32>
      %reduce_sum3A_225 = vector.extract %reduce_sum3A_224[15] : f32 from vector<16xf32>
      %eq3A_226 = arith.constant 2 : i32
      %eq3A_227 = vector.broadcast %eq3A_226 : i32 to vector<16xi32>
      %eq3A_228 = arith.cmpi eq, %iota3A, %eq3A_227 : vector<16xi32>
      %broadcast_in_dim3A_229 = vector.broadcast %reduce_sum3A_225 : f32 to vector<16xf32>
      %select_n3A_230 = arith.select %eq3A_228, %broadcast_in_dim3A_229, %select_n3A_202 : vector<16xi1>, vector<16xf32>
      %add3A_231 = arith.constant 3 : i32
      %add3A_232 = arith.addi %multiple_of3A_148, %add3A_231 : i32
      %get3A_233 = arith.index_cast %add3A_232 : i32 to index
      %get3A_234 = arith.constant 0 : index
      %get3A_235 = tpu.vector_load %arg10[%get3A_233, %get3A_234] {strides = array<i32>} : memref<256x128xf32, #tpu.memory_space<vmem>>, vector<16xf32>,
      %get3A_236 = arith.index_cast %add3A_232 : i32 to index
      %get3A_237 = arith.constant 16 : index
      %get3A_238 = tpu.vector_load %arg10[%get3A_236, %get3A_237] {strides = array<i32>} : memref<256x128xf32, #tpu.memory_space<vmem>>, vector<16xf32>,
      %get3A_239 = arith.index_cast %add3A_232 : i32 to index
      %get3A_240 = arith.constant 0 : index
      %get3A_241 = tpu.vector_load %arg11[%get3A_239, %get3A_240] {strides = array<i32>} : memref<256x128xf32, #tpu.memory_space<vmem>>, vector<16xf32>,
      %get3A_242 = arith.index_cast %add3A_232 : i32 to index
      %get3A_243 = arith.constant 16 : index
      %get3A_244 = tpu.vector_load %arg11[%get3A_242, %get3A_243] {strides = array<i32>} : memref<256x128xf32, #tpu.memory_space<vmem>>, vector<16xf32>,
      %mul3A_245 = arith.mulf %get3A_235, %get3A_241 : vector<16xf32>
      %mul3A_246 = arith.mulf %mul3A_245, %get3A_3 : vector<16xf32>
      %mul3A_247 = arith.mulf %get3A_238, %get3A_244 : vector<16xf32>
      %mul3A_248 = arith.mulf %mul3A_247, %get3A_5 : vector<16xf32>
      %add3A_249 = arith.addf %mul3A_246, %mul3A_248 : vector<16xf32>
      %reduce_sum3A_250 = arith.constant true
      %reduce_sum3A_251 = vector.broadcast %reduce_sum3A_250 : i1 to vector<16xi1>
      %reduce_sum3A_252 = tpu.scan <sum>, %add3A_249 masked %reduce_sum3A_251 : vector<16xf32>, vector<16xi1> -> vector<16xf32>
      %reduce_sum3A_253 = vector.extract %reduce_sum3A_252[15] : f32 from vector<16xf32>
      %eq3A_254 = arith.constant 3 : i32
      %eq3A_255 = vector.broadcast %eq3A_254 : i32 to vector<16xi32>
      %eq3A_256 = arith.cmpi eq, %iota3A, %eq3A_255 : vector<16xi32>
      %broadcast_in_dim3A_257 = vector.broadcast %reduce_sum3A_253 : f32 to vector<16xf32>
      %select_n3A_258 = arith.select %eq3A_256, %broadcast_in_dim3A_257, %select_n3A_230 : vector<16xi1>, vector<16xf32>
      %add3A_259 = arith.constant 4 : i32
      %add3A_260 = arith.addi %multiple_of3A_148, %add3A_259 : i32
      %get3A_261 = arith.index_cast %add3A_260 : i32 to index
      %get3A_262 = arith.constant 0 : index
      %get3A_263 = tpu.vector_load %arg10[%get3A_261, %get3A_262] {strides = array<i32>} : memref<256x128xf32, #tpu.memory_space<vmem>>, vector<16xf32>,
      %get3A_264 = arith.index_cast %add3A_260 : i32 to index
      %get3A_265 = arith.constant 16 : index
      %get3A_266 = tpu.vector_load %arg10[%get3A_264, %get3A_265] {strides = array<i32>} : memref<256x128xf32, #tpu.memory_space<vmem>>, vector<16xf32>,
      %get3A_267 = arith.index_cast %add3A_260 : i32 to index
      %get3A_268 = arith.constant 0 : index
      %get3A_269 = tpu.vector_load %arg11[%get3A_267, %get3A_268] {strides = array<i32>} : memref<256x128xf32, #tpu.memory_space<vmem>>, vector<16xf32>,
      %get3A_270 = arith.index_cast %add3A_260 : i32 to index
      %get3A_271 = arith.constant 16 : index
      %get3A_272 = tpu.vector_load %arg11[%get3A_270, %get3A_271] {strides = array<i32>} : memref<256x128xf32, #tpu.memory_space<vmem>>, vector<16xf32>,
      %mul3A_273 = arith.mulf %get3A_263, %get3A_269 : vector<16xf32>
      %mul3A_274 = arith.mulf %mul3A_273, %get3A_3 : vector<16xf32>
      %mul3A_275 = arith.mulf %get3A_266, %get3A_272 : vector<16xf32>
      %mul3A_276 = arith.mulf %mul3A_275, %get3A_5 : vector<16xf32>
      %add3A_277 = arith.addf %mul3A_274, %mul3A_276 : vector<16xf32>
      %reduce_sum3A_278 = arith.constant true
      %reduce_sum3A_279 = vector.broadcast %reduce_sum3A_278 : i1 to vector<16xi1>
      %reduce_sum3A_280 = tpu.scan <sum>, %add3A_277 masked %reduce_sum3A_279 : vector<16xf32>, vector<16xi1> -> vector<16xf32>
      %reduce_sum3A_281 = vector.extract %reduce_sum3A_280[15] : f32 from vector<16xf32>
      %eq3A_282 = arith.constant 4 : i32
      %eq3A_283 = vector.broadcast %eq3A_282 : i32 to vector<16xi32>
      %eq3A_284 = arith.cmpi eq, %iota3A, %eq3A_283 : vector<16xi32>
      %broadcast_in_dim3A_285 = vector.broadcast %reduce_sum3A_281 : f32 to vector<16xf32>
      %select_n3A_286 = arith.select %eq3A_284, %broadcast_in_dim3A_285, %select_n3A_258 : vector<16xi1>, vector<16xf32>
      %add3A_287 = arith.constant 5 : i32
      %add3A_288 = arith.addi %multiple_of3A_148, %add3A_287 : i32
      %get3A_289 = arith.index_cast %add3A_288 : i32 to index
      %get3A_290 = arith.constant 0 : index
      %get3A_291 = tpu.vector_load %arg10[%get3A_289, %get3A_290] {strides = array<i32>} : memref<256x128xf32, #tpu.memory_space<vmem>>, vector<16xf32>,
      %get3A_292 = arith.index_cast %add3A_288 : i32 to index
      %get3A_293 = arith.constant 16 : index
      %get3A_294 = tpu.vector_load %arg10[%get3A_292, %get3A_293] {strides = array<i32>} : memref<256x128xf32, #tpu.memory_space<vmem>>, vector<16xf32>,
      %get3A_295 = arith.index_cast %add3A_288 : i32 to index
      %get3A_296 = arith.constant 0 : index
      %get3A_297 = tpu.vector_load %arg11[%get3A_295, %get3A_296] {strides = array<i32>} : memref<256x128xf32, #tpu.memory_space<vmem>>, vector<16xf32>,
      %get3A_298 = arith.index_cast %add3A_288 : i32 to index
      %get3A_299 = arith.constant 16 : index
      %get3A_300 = tpu.vector_load %arg11[%get3A_298, %get3A_299] {strides = array<i32>} : memref<256x128xf32, #tpu.memory_space<vmem>>, vector<16xf32>,
      %mul3A_301 = arith.mulf %get3A_291, %get3A_297 : vector<16xf32>
      %mul3A_302 = arith.mulf %mul3A_301, %get3A_3 : vector<16xf32>
      %mul3A_303 = arith.mulf %get3A_294, %get3A_300 : vector<16xf32>
      %mul3A_304 = arith.mulf %mul3A_303, %get3A_5 : vector<16xf32>
      %add3A_305 = arith.addf %mul3A_302, %mul3A_304 : vector<16xf32>
      %reduce_sum3A_306 = arith.constant true
      %reduce_sum3A_307 = vector.broadcast %reduce_sum3A_306 : i1 to vector<16xi1>
      %reduce_sum3A_308 = tpu.scan <sum>, %add3A_305 masked %reduce_sum3A_307 : vector<16xf32>, vector<16xi1> -> vector<16xf32>
      %reduce_sum3A_309 = vector.extract %reduce_sum3A_308[15] : f32 from vector<16xf32>
      %eq3A_310 = arith.constant 5 : i32
      %eq3A_311 = vector.broadcast %eq3A_310 : i32 to vector<16xi32>
      %eq3A_312 = arith.cmpi eq, %iota3A, %eq3A_311 : vector<16xi32>
      %broadcast_in_dim3A_313 = vector.broadcast %reduce_sum3A_309 : f32 to vector<16xf32>
      %select_n3A_314 = arith.select %eq3A_312, %broadcast_in_dim3A_313, %select_n3A_286 : vector<16xi1>, vector<16xf32>
      %add3A_315 = arith.constant 6 : i32
      %add3A_316 = arith.addi %multiple_of3A_148, %add3A_315 : i32
      %get3A_317 = arith.index_cast %add3A_316 : i32 to index
      %get3A_318 = arith.constant 0 : index
      %get3A_319 = tpu.vector_load %arg10[%get3A_317, %get3A_318] {strides = array<i32>} : memref<256x128xf32, #tpu.memory_space<vmem>>, vector<16xf32>,
      %get3A_320 = arith.index_cast %add3A_316 : i32 to index
      %get3A_321 = arith.constant 16 : index
      %get3A_322 = tpu.vector_load %arg10[%get3A_320, %get3A_321] {strides = array<i32>} : memref<256x128xf32, #tpu.memory_space<vmem>>, vector<16xf32>,
      %get3A_323 = arith.index_cast %add3A_316 : i32 to index
      %get3A_324 = arith.constant 0 : index
      %get3A_325 = tpu.vector_load %arg11[%get3A_323, %get3A_324] {strides = array<i32>} : memref<256x128xf32, #tpu.memory_space<vmem>>, vector<16xf32>,
      %get3A_326 = arith.index_cast %add3A_316 : i32 to index
      %get3A_327 = arith.constant 16 : index
      %get3A_328 = tpu.vector_load %arg11[%get3A_326, %get3A_327] {strides = array<i32>} : memref<256x128xf32, #tpu.memory_space<vmem>>, vector<16xf32>,
      %mul3A_329 = arith.mulf %get3A_319, %get3A_325 : vector<16xf32>
      %mul3A_330 = arith.mulf %mul3A_329, %get3A_3 : vector<16xf32>
      %mul3A_331 = arith.mulf %get3A_322, %get3A_328 : vector<16xf32>
      %mul3A_332 = arith.mulf %mul3A_331, %get3A_5 : vector<16xf32>
      %add3A_333 = arith.addf %mul3A_330, %mul3A_332 : vector<16xf32>
      %reduce_sum3A_334 = arith.constant true
      %reduce_sum3A_335 = vector.broadcast %reduce_sum3A_334 : i1 to vector<16xi1>
      %reduce_sum3A_336 = tpu.scan <sum>, %add3A_333 masked %reduce_sum3A_335 : vector<16xf32>, vector<16xi1> -> vector<16xf32>
      %reduce_sum3A_337 = vector.extract %reduce_sum3A_336[15] : f32 from vector<16xf32>
      %eq3A_338 = arith.constant 6 : i32
      %eq3A_339 = vector.broadcast %eq3A_338 : i32 to vector<16xi32>
      %eq3A_340 = arith.cmpi eq, %iota3A, %eq3A_339 : vector<16xi32>
      %broadcast_in_dim3A_341 = vector.broadcast %reduce_sum3A_337 : f32 to vector<16xf32>
      %select_n3A_342 = arith.select %eq3A_340, %broadcast_in_dim3A_341, %select_n3A_314 : vector<16xi1>, vector<16xf32>
      %add3A_343 = arith.constant 7 : i32
      %add3A_344 = arith.addi %multiple_of3A_148, %add3A_343 : i32
      %get3A_345 = arith.index_cast %add3A_344 : i32 to index
      %get3A_346 = arith.constant 0 : index
      %get3A_347 = tpu.vector_load %arg10[%get3A_345, %get3A_346] {strides = array<i32>} : memref<256x128xf32, #tpu.memory_space<vmem>>, vector<16xf32>,
      %get3A_348 = arith.index_cast %add3A_344 : i32 to index
      %get3A_349 = arith.constant 16 : index
      %get3A_350 = tpu.vector_load %arg10[%get3A_348, %get3A_349] {strides = array<i32>} : memref<256x128xf32, #tpu.memory_space<vmem>>, vector<16xf32>,
      %get3A_351 = arith.index_cast %add3A_344 : i32 to index
      %get3A_352 = arith.constant 0 : index
      %get3A_353 = tpu.vector_load %arg11[%get3A_351, %get3A_352] {strides = array<i32>} : memref<256x128xf32, #tpu.memory_space<vmem>>, vector<16xf32>,
      %get3A_354 = arith.index_cast %add3A_344 : i32 to index
      %get3A_355 = arith.constant 16 : index
      %get3A_356 = tpu.vector_load %arg11[%get3A_354, %get3A_355] {strides = array<i32>} : memref<256x128xf32, #tpu.memory_space<vmem>>, vector<16xf32>,
      %mul3A_357 = arith.mulf %get3A_347, %get3A_353 : vector<16xf32>
      %mul3A_358 = arith.mulf %mul3A_357, %get3A_3 : vector<16xf32>
      %mul3A_359 = arith.mulf %get3A_350, %get3A_356 : vector<16xf32>
      %mul3A_360 = arith.mulf %mul3A_359, %get3A_5 : vector<16xf32>
      %add3A_361 = arith.addf %mul3A_358, %mul3A_360 : vector<16xf32>
      %reduce_sum3A_362 = arith.constant true
      %reduce_sum3A_363 = vector.broadcast %reduce_sum3A_362 : i1 to vector<16xi1>
      %reduce_sum3A_364 = tpu.scan <sum>, %add3A_361 masked %reduce_sum3A_363 : vector<16xf32>, vector<16xi1> -> vector<16xf32>
      %reduce_sum3A_365 = vector.extract %reduce_sum3A_364[15] : f32 from vector<16xf32>
      %eq3A_366 = arith.constant 7 : i32
      %eq3A_367 = vector.broadcast %eq3A_366 : i32 to vector<16xi32>
      %eq3A_368 = arith.cmpi eq, %iota3A, %eq3A_367 : vector<16xi32>
      %broadcast_in_dim3A_369 = vector.broadcast %reduce_sum3A_365 : f32 to vector<16xf32>
      %select_n3A_370 = arith.select %eq3A_368, %broadcast_in_dim3A_369, %select_n3A_342 : vector<16xi1>, vector<16xf32>
      %add3A_371 = arith.constant 8 : i32
      %add3A_372 = arith.addi %multiple_of3A_148, %add3A_371 : i32
      %get3A_373 = arith.index_cast %add3A_372 : i32 to index
      %get3A_374 = arith.constant 0 : index
      %get3A_375 = tpu.vector_load %arg10[%get3A_373, %get3A_374] {strides = array<i32>} : memref<256x128xf32, #tpu.memory_space<vmem>>, vector<16xf32>,
      %get3A_376 = arith.index_cast %add3A_372 : i32 to index
      %get3A_377 = arith.constant 16 : index
      %get3A_378 = tpu.vector_load %arg10[%get3A_376, %get3A_377] {strides = array<i32>} : memref<256x128xf32, #tpu.memory_space<vmem>>, vector<16xf32>,
      %get3A_379 = arith.index_cast %add3A_372 : i32 to index
      %get3A_380 = arith.constant 0 : index
      %get3A_381 = tpu.vector_load %arg11[%get3A_379, %get3A_380] {strides = array<i32>} : memref<256x128xf32, #tpu.memory_space<vmem>>, vector<16xf32>,
      %get3A_382 = arith.index_cast %add3A_372 : i32 to index
      %get3A_383 = arith.constant 16 : index
      %get3A_384 = tpu.vector_load %arg11[%get3A_382, %get3A_383] {strides = array<i32>} : memref<256x128xf32, #tpu.memory_space<vmem>>, vector<16xf32>,
      %mul3A_385 = arith.mulf %get3A_375, %get3A_381 : vector<16xf32>
      %mul3A_386 = arith.mulf %mul3A_385, %get3A_3 : vector<16xf32>
      %mul3A_387 = arith.mulf %get3A_378, %get3A_384 : vector<16xf32>
      %mul3A_388 = arith.mulf %mul3A_387, %get3A_5 : vector<16xf32>
      %add3A_389 = arith.addf %mul3A_386, %mul3A_388 : vector<16xf32>
      %reduce_sum3A_390 = arith.constant true
      %reduce_sum3A_391 = vector.broadcast %reduce_sum3A_390 : i1 to vector<16xi1>
      %reduce_sum3A_392 = tpu.scan <sum>, %add3A_389 masked %reduce_sum3A_391 : vector<16xf32>, vector<16xi1> -> vector<16xf32>
      %reduce_sum3A_393 = vector.extract %reduce_sum3A_392[15] : f32 from vector<16xf32>
      %eq3A_394 = arith.constant 8 : i32
      %eq3A_395 = vector.broadcast %eq3A_394 : i32 to vector<16xi32>
      %eq3A_396 = arith.cmpi eq, %iota3A, %eq3A_395 : vector<16xi32>
      %broadcast_in_dim3A_397 = vector.broadcast %reduce_sum3A_393 : f32 to vector<16xf32>
      %select_n3A_398 = arith.select %eq3A_396, %broadcast_in_dim3A_397, %select_n3A_370 : vector<16xi1>, vector<16xf32>
      %add3A_399 = arith.constant 9 : i32
      %add3A_400 = arith.addi %multiple_of3A_148, %add3A_399 : i32
      %get3A_401 = arith.index_cast %add3A_400 : i32 to index
      %get3A_402 = arith.constant 0 : index
      %get3A_403 = tpu.vector_load %arg10[%get3A_401, %get3A_402] {strides = array<i32>} : memref<256x128xf32, #tpu.memory_space<vmem>>, vector<16xf32>,
      %get3A_404 = arith.index_cast %add3A_400 : i32 to index
      %get3A_405 = arith.constant 16 : index
      %get3A_406 = tpu.vector_load %arg10[%get3A_404, %get3A_405] {strides = array<i32>} : memref<256x128xf32, #tpu.memory_space<vmem>>, vector<16xf32>,
      %get3A_407 = arith.index_cast %add3A_400 : i32 to index
      %get3A_408 = arith.constant 0 : index
      %get3A_409 = tpu.vector_load %arg11[%get3A_407, %get3A_408] {strides = array<i32>} : memref<256x128xf32, #tpu.memory_space<vmem>>, vector<16xf32>,
      %get3A_410 = arith.index_cast %add3A_400 : i32 to index
      %get3A_411 = arith.constant 16 : index
      %get3A_412 = tpu.vector_load %arg11[%get3A_410, %get3A_411] {strides = array<i32>} : memref<256x128xf32, #tpu.memory_space<vmem>>, vector<16xf32>,
      %mul3A_413 = arith.mulf %get3A_403, %get3A_409 : vector<16xf32>
      %mul3A_414 = arith.mulf %mul3A_413, %get3A_3 : vector<16xf32>
      %mul3A_415 = arith.mulf %get3A_406, %get3A_412 : vector<16xf32>
      %mul3A_416 = arith.mulf %mul3A_415, %get3A_5 : vector<16xf32>
      %add3A_417 = arith.addf %mul3A_414, %mul3A_416 : vector<16xf32>
      %reduce_sum3A_418 = arith.constant true
      %reduce_sum3A_419 = vector.broadcast %reduce_sum3A_418 : i1 to vector<16xi1>
      %reduce_sum3A_420 = tpu.scan <sum>, %add3A_417 masked %reduce_sum3A_419 : vector<16xf32>, vector<16xi1> -> vector<16xf32>
      %reduce_sum3A_421 = vector.extract %reduce_sum3A_420[15] : f32 from vector<16xf32>
      %eq3A_422 = arith.constant 9 : i32
      %eq3A_423 = vector.broadcast %eq3A_422 : i32 to vector<16xi32>
      %eq3A_424 = arith.cmpi eq, %iota3A, %eq3A_423 : vector<16xi32>
      %broadcast_in_dim3A_425 = vector.broadcast %reduce_sum3A_421 : f32 to vector<16xf32>
      %select_n3A_426 = arith.select %eq3A_424, %broadcast_in_dim3A_425, %select_n3A_398 : vector<16xi1>, vector<16xf32>
      %add3A_427 = arith.constant 10 : i32
      %add3A_428 = arith.addi %multiple_of3A_148, %add3A_427 : i32
      %get3A_429 = arith.index_cast %add3A_428 : i32 to index
      %get3A_430 = arith.constant 0 : index
      %get3A_431 = tpu.vector_load %arg10[%get3A_429, %get3A_430] {strides = array<i32>} : memref<256x128xf32, #tpu.memory_space<vmem>>, vector<16xf32>,
      %get3A_432 = arith.index_cast %add3A_428 : i32 to index
      %get3A_433 = arith.constant 16 : index
      %get3A_434 = tpu.vector_load %arg10[%get3A_432, %get3A_433] {strides = array<i32>} : memref<256x128xf32, #tpu.memory_space<vmem>>, vector<16xf32>,
      %get3A_435 = arith.index_cast %add3A_428 : i32 to index
      %get3A_436 = arith.constant 0 : index
      %get3A_437 = tpu.vector_load %arg11[%get3A_435, %get3A_436] {strides = array<i32>} : memref<256x128xf32, #tpu.memory_space<vmem>>, vector<16xf32>,
      %get3A_438 = arith.index_cast %add3A_428 : i32 to index
      %get3A_439 = arith.constant 16 : index
      %get3A_440 = tpu.vector_load %arg11[%get3A_438, %get3A_439] {strides = array<i32>} : memref<256x128xf32, #tpu.memory_space<vmem>>, vector<16xf32>,
      %mul3A_441 = arith.mulf %get3A_431, %get3A_437 : vector<16xf32>
      %mul3A_442 = arith.mulf %mul3A_441, %get3A_3 : vector<16xf32>
      %mul3A_443 = arith.mulf %get3A_434, %get3A_440 : vector<16xf32>
      %mul3A_444 = arith.mulf %mul3A_443, %get3A_5 : vector<16xf32>
      %add3A_445 = arith.addf %mul3A_442, %mul3A_444 : vector<16xf32>
      %reduce_sum3A_446 = arith.constant true
      %reduce_sum3A_447 = vector.broadcast %reduce_sum3A_446 : i1 to vector<16xi1>
      %reduce_sum3A_448 = tpu.scan <sum>, %add3A_445 masked %reduce_sum3A_447 : vector<16xf32>, vector<16xi1> -> vector<16xf32>
      %reduce_sum3A_449 = vector.extract %reduce_sum3A_448[15] : f32 from vector<16xf32>
      %eq3A_450 = arith.constant 10 : i32
      %eq3A_451 = vector.broadcast %eq3A_450 : i32 to vector<16xi32>
      %eq3A_452 = arith.cmpi eq, %iota3A, %eq3A_451 : vector<16xi32>
      %broadcast_in_dim3A_453 = vector.broadcast %reduce_sum3A_449 : f32 to vector<16xf32>
      %select_n3A_454 = arith.select %eq3A_452, %broadcast_in_dim3A_453, %select_n3A_426 : vector<16xi1>, vector<16xf32>
      %add3A_455 = arith.constant 11 : i32
      %add3A_456 = arith.addi %multiple_of3A_148, %add3A_455 : i32
      %get3A_457 = arith.index_cast %add3A_456 : i32 to index
      %get3A_458 = arith.constant 0 : index
      %get3A_459 = tpu.vector_load %arg10[%get3A_457, %get3A_458] {strides = array<i32>} : memref<256x128xf32, #tpu.memory_space<vmem>>, vector<16xf32>,
      %get3A_460 = arith.index_cast %add3A_456 : i32 to index
      %get3A_461 = arith.constant 16 : index
      %get3A_462 = tpu.vector_load %arg10[%get3A_460, %get3A_461] {strides = array<i32>} : memref<256x128xf32, #tpu.memory_space<vmem>>, vector<16xf32>,
      %get3A_463 = arith.index_cast %add3A_456 : i32 to index
      %get3A_464 = arith.constant 0 : index
      %get3A_465 = tpu.vector_load %arg11[%get3A_463, %get3A_464] {strides = array<i32>} : memref<256x128xf32, #tpu.memory_space<vmem>>, vector<16xf32>,
      %get3A_466 = arith.index_cast %add3A_456 : i32 to index
      %get3A_467 = arith.constant 16 : index
      %get3A_468 = tpu.vector_load %arg11[%get3A_466, %get3A_467] {strides = array<i32>} : memref<256x128xf32, #tpu.memory_space<vmem>>, vector<16xf32>,
      %mul3A_469 = arith.mulf %get3A_459, %get3A_465 : vector<16xf32>
      %mul3A_470 = arith.mulf %mul3A_469, %get3A_3 : vector<16xf32>
      %mul3A_471 = arith.mulf %get3A_462, %get3A_468 : vector<16xf32>
      %mul3A_472 = arith.mulf %mul3A_471, %get3A_5 : vector<16xf32>
      %add3A_473 = arith.addf %mul3A_470, %mul3A_472 : vector<16xf32>
      %reduce_sum3A_474 = arith.constant true
      %reduce_sum3A_475 = vector.broadcast %reduce_sum3A_474 : i1 to vector<16xi1>
      %reduce_sum3A_476 = tpu.scan <sum>, %add3A_473 masked %reduce_sum3A_475 : vector<16xf32>, vector<16xi1> -> vector<16xf32>
      %reduce_sum3A_477 = vector.extract %reduce_sum3A_476[15] : f32 from vector<16xf32>
      %eq3A_478 = arith.constant 11 : i32
      %eq3A_479 = vector.broadcast %eq3A_478 : i32 to vector<16xi32>
      %eq3A_480 = arith.cmpi eq, %iota3A, %eq3A_479 : vector<16xi32>
      %broadcast_in_dim3A_481 = vector.broadcast %reduce_sum3A_477 : f32 to vector<16xf32>
      %select_n3A_482 = arith.select %eq3A_480, %broadcast_in_dim3A_481, %select_n3A_454 : vector<16xi1>, vector<16xf32>
      %add3A_483 = arith.constant 12 : i32
      %add3A_484 = arith.addi %multiple_of3A_148, %add3A_483 : i32
      %get3A_485 = arith.index_cast %add3A_484 : i32 to index
      %get3A_486 = arith.constant 0 : index
      %get3A_487 = tpu.vector_load %arg10[%get3A_485, %get3A_486] {strides = array<i32>} : memref<256x128xf32, #tpu.memory_space<vmem>>, vector<16xf32>,
      %get3A_488 = arith.index_cast %add3A_484 : i32 to index
      %get3A_489 = arith.constant 16 : index
      %get3A_490 = tpu.vector_load %arg10[%get3A_488, %get3A_489] {strides = array<i32>} : memref<256x128xf32, #tpu.memory_space<vmem>>, vector<16xf32>,
      %get3A_491 = arith.index_cast %add3A_484 : i32 to index
      %get3A_492 = arith.constant 0 : index
      %get3A_493 = tpu.vector_load %arg11[%get3A_491, %get3A_492] {strides = array<i32>} : memref<256x128xf32, #tpu.memory_space<vmem>>, vector<16xf32>,
      %get3A_494 = arith.index_cast %add3A_484 : i32 to index
      %get3A_495 = arith.constant 16 : index
      %get3A_496 = tpu.vector_load %arg11[%get3A_494, %get3A_495] {strides = array<i32>} : memref<256x128xf32, #tpu.memory_space<vmem>>, vector<16xf32>,
      %mul3A_497 = arith.mulf %get3A_487, %get3A_493 : vector<16xf32>
      %mul3A_498 = arith.mulf %mul3A_497, %get3A_3 : vector<16xf32>
      %mul3A_499 = arith.mulf %get3A_490, %get3A_496 : vector<16xf32>
      %mul3A_500 = arith.mulf %mul3A_499, %get3A_5 : vector<16xf32>
      %add3A_501 = arith.addf %mul3A_498, %mul3A_500 : vector<16xf32>
      %reduce_sum3A_502 = arith.constant true
      %reduce_sum3A_503 = vector.broadcast %reduce_sum3A_502 : i1 to vector<16xi1>
      %reduce_sum3A_504 = tpu.scan <sum>, %add3A_501 masked %reduce_sum3A_503 : vector<16xf32>, vector<16xi1> -> vector<16xf32>
      %reduce_sum3A_505 = vector.extract %reduce_sum3A_504[15] : f32 from vector<16xf32>
      %eq3A_506 = arith.constant 12 : i32
      %eq3A_507 = vector.broadcast %eq3A_506 : i32 to vector<16xi32>
      %eq3A_508 = arith.cmpi eq, %iota3A, %eq3A_507 : vector<16xi32>
      %broadcast_in_dim3A_509 = vector.broadcast %reduce_sum3A_505 : f32 to vector<16xf32>
      %select_n3A_510 = arith.select %eq3A_508, %broadcast_in_dim3A_509, %select_n3A_482 : vector<16xi1>, vector<16xf32>
      %add3A_511 = arith.constant 13 : i32
      %add3A_512 = arith.addi %multiple_of3A_148, %add3A_511 : i32
      %get3A_513 = arith.index_cast %add3A_512 : i32 to index
      %get3A_514 = arith.constant 0 : index
      %get3A_515 = tpu.vector_load %arg10[%get3A_513, %get3A_514] {strides = array<i32>} : memref<256x128xf32, #tpu.memory_space<vmem>>, vector<16xf32>,
      %get3A_516 = arith.index_cast %add3A_512 : i32 to index
      %get3A_517 = arith.constant 16 : index
      %get3A_518 = tpu.vector_load %arg10[%get3A_516, %get3A_517] {strides = array<i32>} : memref<256x128xf32, #tpu.memory_space<vmem>>, vector<16xf32>,
      %get3A_519 = arith.index_cast %add3A_512 : i32 to index
      %get3A_520 = arith.constant 0 : index
      %get3A_521 = tpu.vector_load %arg11[%get3A_519, %get3A_520] {strides = array<i32>} : memref<256x128xf32, #tpu.memory_space<vmem>>, vector<16xf32>,
      %get3A_522 = arith.index_cast %add3A_512 : i32 to index
      %get3A_523 = arith.constant 16 : index
      %get3A_524 = tpu.vector_load %arg11[%get3A_522, %get3A_523] {strides = array<i32>} : memref<256x128xf32, #tpu.memory_space<vmem>>, vector<16xf32>,
      %mul3A_525 = arith.mulf %get3A_515, %get3A_521 : vector<16xf32>
      %mul3A_526 = arith.mulf %mul3A_525, %get3A_3 : vector<16xf32>
      %mul3A_527 = arith.mulf %get3A_518, %get3A_524 : vector<16xf32>
      %mul3A_528 = arith.mulf %mul3A_527, %get3A_5 : vector<16xf32>
      %add3A_529 = arith.addf %mul3A_526, %mul3A_528 : vector<16xf32>
      %reduce_sum3A_530 = arith.constant true
      %reduce_sum3A_531 = vector.broadcast %reduce_sum3A_530 : i1 to vector<16xi1>
      %reduce_sum3A_532 = tpu.scan <sum>, %add3A_529 masked %reduce_sum3A_531 : vector<16xf32>, vector<16xi1> -> vector<16xf32>
      %reduce_sum3A_533 = vector.extract %reduce_sum3A_532[15] : f32 from vector<16xf32>
      %eq3A_534 = arith.constant 13 : i32
      %eq3A_535 = vector.broadcast %eq3A_534 : i32 to vector<16xi32>
      %eq3A_536 = arith.cmpi eq, %iota3A, %eq3A_535 : vector<16xi32>
      %broadcast_in_dim3A_537 = vector.broadcast %reduce_sum3A_533 : f32 to vector<16xf32>
      %select_n3A_538 = arith.select %eq3A_536, %broadcast_in_dim3A_537, %select_n3A_510 : vector<16xi1>, vector<16xf32>
      %add3A_539 = arith.constant 14 : i32
      %add3A_540 = arith.addi %multiple_of3A_148, %add3A_539 : i32
      %get3A_541 = arith.index_cast %add3A_540 : i32 to index
      %get3A_542 = arith.constant 0 : index
      %get3A_543 = tpu.vector_load %arg10[%get3A_541, %get3A_542] {strides = array<i32>} : memref<256x128xf32, #tpu.memory_space<vmem>>, vector<16xf32>,
      %get3A_544 = arith.index_cast %add3A_540 : i32 to index
      %get3A_545 = arith.constant 16 : index
      %get3A_546 = tpu.vector_load %arg10[%get3A_544, %get3A_545] {strides = array<i32>} : memref<256x128xf32, #tpu.memory_space<vmem>>, vector<16xf32>,
      %get3A_547 = arith.index_cast %add3A_540 : i32 to index
      %get3A_548 = arith.constant 0 : index
      %get3A_549 = tpu.vector_load %arg11[%get3A_547, %get3A_548] {strides = array<i32>} : memref<256x128xf32, #tpu.memory_space<vmem>>, vector<16xf32>,
      %get3A_550 = arith.index_cast %add3A_540 : i32 to index
      %get3A_551 = arith.constant 16 : index
      %get3A_552 = tpu.vector_load %arg11[%get3A_550, %get3A_551] {strides = array<i32>} : memref<256x128xf32, #tpu.memory_space<vmem>>, vector<16xf32>,
      %mul3A_553 = arith.mulf %get3A_543, %get3A_549 : vector<16xf32>
      %mul3A_554 = arith.mulf %mul3A_553, %get3A_3 : vector<16xf32>
      %mul3A_555 = arith.mulf %get3A_546, %get3A_552 : vector<16xf32>
      %mul3A_556 = arith.mulf %mul3A_555, %get3A_5 : vector<16xf32>
      %add3A_557 = arith.addf %mul3A_554, %mul3A_556 : vector<16xf32>
      %reduce_sum3A_558 = arith.constant true
      %reduce_sum3A_559 = vector.broadcast %reduce_sum3A_558 : i1 to vector<16xi1>
      %reduce_sum3A_560 = tpu.scan <sum>, %add3A_557 masked %reduce_sum3A_559 : vector<16xf32>, vector<16xi1> -> vector<16xf32>
      %reduce_sum3A_561 = vector.extract %reduce_sum3A_560[15] : f32 from vector<16xf32>
      %eq3A_562 = arith.constant 14 : i32
      %eq3A_563 = vector.broadcast %eq3A_562 : i32 to vector<16xi32>
      %eq3A_564 = arith.cmpi eq, %iota3A, %eq3A_563 : vector<16xi32>
      %broadcast_in_dim3A_565 = vector.broadcast %reduce_sum3A_561 : f32 to vector<16xf32>
      %select_n3A_566 = arith.select %eq3A_564, %broadcast_in_dim3A_565, %select_n3A_538 : vector<16xi1>, vector<16xf32>
      %add3A_567 = arith.constant 15 : i32
      %add3A_568 = arith.addi %multiple_of3A_148, %add3A_567 : i32
      %get3A_569 = arith.index_cast %add3A_568 : i32 to index
      %get3A_570 = arith.constant 0 : index
      %get3A_571 = tpu.vector_load %arg10[%get3A_569, %get3A_570] {strides = array<i32>} : memref<256x128xf32, #tpu.memory_space<vmem>>, vector<16xf32>,
      %get3A_572 = arith.index_cast %add3A_568 : i32 to index
      %get3A_573 = arith.constant 16 : index
      %get3A_574 = tpu.vector_load %arg10[%get3A_572, %get3A_573] {strides = array<i32>} : memref<256x128xf32, #tpu.memory_space<vmem>>, vector<16xf32>,
      %get3A_575 = arith.index_cast %add3A_568 : i32 to index
      %get3A_576 = arith.constant 0 : index
      %get3A_577 = tpu.vector_load %arg11[%get3A_575, %get3A_576] {strides = array<i32>} : memref<256x128xf32, #tpu.memory_space<vmem>>, vector<16xf32>,
      %get3A_578 = arith.index_cast %add3A_568 : i32 to index
      %get3A_579 = arith.constant 16 : index
      %get3A_580 = tpu.vector_load %arg11[%get3A_578, %get3A_579] {strides = array<i32>} : memref<256x128xf32, #tpu.memory_space<vmem>>, vector<16xf32>,
      %mul3A_581 = arith.mulf %get3A_571, %get3A_577 : vector<16xf32>
      %mul3A_582 = arith.mulf %mul3A_581, %get3A_3 : vector<16xf32>
      %mul3A_583 = arith.mulf %get3A_574, %get3A_580 : vector<16xf32>
      %mul3A_584 = arith.mulf %mul3A_583, %get3A_5 : vector<16xf32>
      %add3A_585 = arith.addf %mul3A_582, %mul3A_584 : vector<16xf32>
      %reduce_sum3A_586 = arith.constant true
      %reduce_sum3A_587 = vector.broadcast %reduce_sum3A_586 : i1 to vector<16xi1>
      %reduce_sum3A_588 = tpu.scan <sum>, %add3A_585 masked %reduce_sum3A_587 : vector<16xf32>, vector<16xi1> -> vector<16xf32>
      %reduce_sum3A_589 = vector.extract %reduce_sum3A_588[15] : f32 from vector<16xf32>
      %eq3A_590 = arith.constant 15 : i32
      %eq3A_591 = vector.broadcast %eq3A_590 : i32 to vector<16xi32>
      %eq3A_592 = arith.cmpi eq, %iota3A, %eq3A_591 : vector<16xi32>
      %broadcast_in_dim3A_593 = vector.broadcast %reduce_sum3A_589 : f32 to vector<16xf32>
      %select_n3A_594 = arith.select %eq3A_592, %broadcast_in_dim3A_593, %select_n3A_566 : vector<16xi1>, vector<16xf32>
      %add3A_595 = vector.broadcast %squeeze3A : f32 to vector<16xf32>
      %add3A_596 = arith.addf %select_n3A_594, %add3A_595 : vector<16xf32>
      %neg3A = arith.constant 0.000000e+00 : f32
      %neg3A_597 = vector.broadcast %neg3A : f32 to vector<16xf32>
      %neg3A_598 = arith.subf %neg3A_597, %add3A_596 : vector<16xf32>
      %exp3A = math.exp %neg3A_598 : vector<16xf32>
      %add3A_599 = arith.constant 1.000000e+00 : f32
      %add3A_600 = vector.broadcast %add3A_599 : f32 to vector<16xf32>
      %add3A_601 = arith.addf %add3A_600, %exp3A : vector<16xf32>
      %div3A = arith.constant 1.000000e+00 : f32
      %div3A_602 = vector.broadcast %div3A : f32 to vector<16xf32>
      %div3A_603 = arith.divf %div3A_602, %add3A_601 : vector<16xf32>
      %add3A_604 = arith.addi %scan3A_139, %multiple_of3A_148 : i32
      %swap3A = arith.index_cast %add3A_604 : i32 to index
      %swap3A_605 = tpu.vector_load %arg13[%swap3A] {strides = array<i32>} : memref<512xf32, #tpu.memory_space<vmem>>, vector<16xf32>,
      tpu.vector_store %arg13[%swap3A], %div3A_603 {strides = array<i32>} : memref<512xf32, #tpu.memory_space<vmem>>, vector<16xf32>,
    }
    %scan3A_144 = arith.constant 16 : i32
    "tpu.region"() ({
      %run_scoped3A = tpu.sem_alloc : memref<!tpu.dma_semaphore, #tpu.memory_space<semaphore_mem>>
      %dma_start3A_145 = tpu.memref_slice %arg7[%multiple_of3A] : memref<16384xf32, #tpu.memory_space<hbm>> -> memref<512xf32, #tpu.memory_space<hbm>>
      %dma_start3A_146 = tpu.memref_slice %arg7[%multiple_of3A] : memref<16384xf32, #tpu.memory_space<hbm>> -> memref<512xf32, #tpu.memory_space<hbm>>
      tpu.enqueue_dma source(%arg13 : memref<512xf32, #tpu.memory_space<vmem>>) target(%dma_start3A_146 : memref<512xf32, #tpu.memory_space<hbm>>) target_semaphore(%run_scoped3A : memref<!tpu.dma_semaphore, #tpu.memory_space<semaphore_mem>>)
      %dma_wait3A_147 = tpu.memref_slice %arg7[%multiple_of3A] : memref<16384xf32, #tpu.memory_space<hbm>> -> memref<512xf32, #tpu.memory_space<hbm>>
      %dma_wait3A_148 = tpu.memref_slice %arg7[%multiple_of3A] : memref<16384xf32, #tpu.memory_space<hbm>> -> memref<512xf32, #tpu.memory_space<hbm>>
      tpu.wait_dma2 semaphore(%run_scoped3A : memref<!tpu.dma_semaphore, #tpu.memory_space<semaphore_mem>>) src(%arg13 : memref<512xf32, #tpu.memory_space<vmem>>) dst(%dma_wait3A_148 : memref<512xf32, #tpu.memory_space<hbm>>)
      tpu.yield
    }) : () -> ()
    return
  }
}

</mosaic_0001>

<sc_bundles>
// kernel: kernel.3.cloned.1.call-start
scs
__scs_entry_jumppad:
0x0: {  	(pc) =	sbr.rel $0x88, $3  }
0x1: {  	(tag) =	ssettag $0x0;
	lr =	simm.s32 $0x1  }
0x2: {  	[smem:$0x3F9B] =	sst lr;
	_ =	strace $0xD0000000  }
0x3: {  	_ = 	snop  }
0x4: {  	_ = 	snop  }
0x5: {  	_ = 	snop  }
0x6: {  	_ = 	snop  }
0x7: {  	_ = 	snop  }
__scs_overlays_trampoline_lowered:
0x8: {  	[smem:$0x3FAA] =	sst s0  }
0x9: {  	[smem:$0x3FAB] =	sst s1  }
0xa: {  	[smem:$0x3FAC] =	sst s2  }
0xb: {  	[smem:$0x3FAD] =	sst s3  }
0xc: {  	[smem:$0x3FAE] =	sst s4  }
0xd: {  	[smem:$0x3FAF] =	sst s5  }
0xe: {  	[smem:$0x3FB0] =	sst s6  }
0xf: {  	[smem:$0x3FB1] =	sst s7  }
0x10: {  	[smem:$0x3FB2] =	sst s8  }
0x11: {  	[smem:$0x3FB3] =	sst s9;
	s0 =	simm.s32 @!p0 $0x0  }
0x12: {  	s1 =	sld [smem:$0x3F99];
	s0 =	simm.s32 @p0 $0x1  }
0x13: {  	[smem:$0x3FB4] =	sst s0;
	s0 =	simm.s32 @!p1 $0x0  }
0x14: {  	s2 =	sld [smem:$0x3F98];
	s0 =	simm.s32 @p1 $0x1  }
0x15: {  	[smem:$0x3FB5] =	sst s0;
	s0 =	simm.s32 @!p2 $0x0  }
0x16: {  	s3 =	sld [smem:$0x3FDB];
	s0 =	simm.s32 @p2 $0x1  }
0x17: {  	s4 =	simm.s32 $0x1BF5;
	[smem:$0x3FB7] =	sst s0  }
0x18: {  	s0 =	sld [smem:$0x3F9A];
	_ =	swait.ge [sflag:s4], $0x0  }
0x19: {  	s7 =	sld [smem:$0x3F9B]  }
0x1a: {  	s8 =	sadd.s32 $0xFFFFE003, lr  }
0x1b: {  	s9 =	sadd.s32 $0xFFFFFEF7, lr;
	s5 =	simm.s32 $0xFFFFFFFF;
	p2 =	slt.u32 s8, $0xFFFFF086  }
0x1c: {  	p1 =	slt.u32 s9, $0xF7A;
	s5 =	simm.s32 @!p2 $0x0  }
0x1d: {  	s5 =	simm.s32 @p1 $0x1;
	p0 =	seq.s32 s7, s2  }
0x1e: {  	s7 =	smul.u32 @!p0 $0xF7A, s2;
	p2 =	seq.s32 @!p0 s5, $0x0  }
0x1f: {  	s9 =	smul.u32 $0xF7A, s1;
	s8 =	simm.s32 @!p0 $0x1BF5;
	p2 =	por !p2, p0  }
0x20: {  	[sflag:s8] =	ssyncset.s32 @!p0 $0xFFFFF086;
	s6 =	sadd.s32 @!p0 s3, s7;
	s7 =	simm.s32 @!p0 $0x108  }
0x21: {  	s3 =	sadd.s32 s3, s9;
	s6 =	sadd.s32 @!p0 $0x88, s6;
	s7 =	simm.s32 @p2 $0x1082  }
0x22: {  	[simem:s7], [sflag:s8] =	dma.local @!p0 [hbm:s6], $0xF7A  }
0x23: {  	s9 =	sor.u32 $0xD0000000, s2;
	s6 =	simm.s32 $0x108;
	_ =	swait.ge @!p0 [sflag:s8], $0x0  }
0x24: {  	s3 =	sadd.s32 $0x88, s3;
	s6 =	simm.s32 @!p1 $0x1082;
	[sflag:s4] =	ssyncset.s32 $0xFFFFF086  }
0x25: {  	[simem:s6], [sflag:s4] =	dma.local [hbm:s3], $0xF7A  }
0x26: {  	[smem:$0x3F9B] =	sst s1;
	(tag) =	ssettag s2;
	_ =	strace s9  }
0x27: {  	s1 =	sld [smem:$0x3FAB]  }
0x28: {  	s2 =	sld [smem:$0x3FAC]  }
0x29: {  	s4 =	sld [smem:$0x3FAE]  }
0x2a: {  	p0 =	seq.s32 s5, $0x0;
	s5 =	sld [smem:$0x3FAF]  }
0x2b: {  	s6 =	sld [smem:$0x3FB0]  }
0x2c: {  	s7 =	sld [smem:$0x3FB1]  }
0x2d: {  	s3 =	simm.s32 $0x108;
	s8 =	sld [smem:$0x3FB2]  }
0x2e: {  	s3 =	simm.s32 @!p0 $0x1082;
	s9 =	sld [smem:$0x3FB3]  }
0x2f: {  	lr =	sadd.s32 s0, s3;
	s0 =	sld [smem:$0x3FAA]  }
0x30: {  	s3 =	sld [smem:$0x3FAD]  }
0x31: {  	[smem:$0x3FB6] =	sst s10  }
0x32: {  	s10 =	sld [smem:$0x3FB4];
	_ =	sdelay $0x3  }
0x33: {  	p0 =	seq.s32 s10, $0x1;
	s10 =	sld [smem:$0x3FB6];
	_ =	sdelay $0x3  }
0x34: {  	[smem:$0x3FB6] =	sst s10  }
0x35: {  	s10 =	sld [smem:$0x3FB5];
	_ =	sdelay $0x3  }
0x36: {  	p1 =	seq.s32 s10, $0x1;
	s10 =	sld [smem:$0x3FB6];
	_ =	sdelay $0x3  }
0x37: {  	[smem:$0x3FB6] =	sst s10  }
0x38: {  	s10 =	sld [smem:$0x3FB7]  }
0x39: {  	_ = 	snop;
	(pc) =	sbr.ind lr, $3  }
0x3a: {  	_ = 	snop  }
0x3b: {  	_ = 	snop  }
0x3c: {  	p2 =	seq.s32 s10, $0x1;
	s10 =	sld [smem:$0x3FB6]  }
0x3d: {  	_ =	shalt  }
0x3e: {  	_ =	shalt  }
0x3f: {  	_ =	shalt  }
0x40: {  	_ =	shalt  }
0x41: {  	_ =	shalt  }
0x42: {  	_ =	shalt  }
0x43: {  	_ =	shalt  }
0x44: {  	_ =	shalt  }
0x45: {  	_ =	shalt  }
0x46: {  	_ =	shalt  }
0x47: {  	_ =	shalt  }
0x48: {  	_ =	shalt  }
0x49: {  	_ =	shalt  }
0x4a: {  	_ =	shalt  }
0x4b: {  	_ =	shalt  }
0x4c: {  	_ =	shalt  }
0x4d: {  	_ =	shalt  }
0x4e: {  	_ =	shalt  }
0x4f: {  	_ =	shalt  }
0x50: {  	_ =	shalt  }
0x51: {  	_ =	shalt  }
0x52: {  	_ =	shalt  }
0x53: {  	_ =	shalt  }
0x54: {  	_ =	shalt  }
0x55: {  	_ =	shalt  }
0x56: {  	_ =	shalt  }
0x57: {  	_ =	shalt  }
0x58: {  	_ =	shalt  }
0x59: {  	_ =	shalt  }
0x5a: {  	_ =	shalt  }
0x5b: {  	_ =	shalt  }
0x5c: {  	_ =	shalt  }
0x5d: {  	_ =	shalt  }
0x5e: {  	_ =	shalt  }
0x5f: {  	_ =	shalt  }
0x60: {  	_ =	shalt  }
0x61: {  	_ =	shalt  }
0x62: {  	_ =	shalt  }
0x63: {  	_ =	shalt  }
0x64: {  	_ =	shalt  }
0x65: {  	_ =	shalt  }
0x66: {  	_ =	shalt  }
0x67: {  	_ =	shalt  }
0x68: {  	_ =	shalt  }
0x69: {  	_ =	shalt  }
0x6a: {  	_ =	shalt  }
0x6b: {  	_ =	shalt  }
0x6c: {  	_ =	shalt  }
0x6d: {  	_ =	shalt  }
0x6e: {  	_ =	shalt  }
0x6f: {  	_ =	shalt  }
0x70: {  	_ =	shalt  }
0x71: {  	_ =	shalt  }
0x72: {  	_ =	shalt  }
0x73: {  	_ =	shalt  }
0x74: {  	_ =	shalt  }
0x75: {  	_ =	shalt  }
0x76: {  	_ =	shalt  }
0x77: {  	_ =	shalt  }
0x78: {  	_ =	shalt  }
0x79: {  	_ =	shalt  }
0x7a: {  	_ =	shalt  }
0x7b: {  	_ =	shalt  }
0x7c: {  	_ =	shalt  }
0x7d: {  	_ =	shalt  }
0x7e: {  	_ =	shalt  }
0x7f: {  	_ =	shalt  }
0x80: {  	_ =	shalt  }
0x81: {  	_ =	shalt  }
0x82: {  	_ =	shalt  }
0x83: {  	_ =	shalt  }
0x84: {  	_ =	shalt  }
0x85: {  	_ =	shalt  }
0x86: {  	_ =	shalt  }
0x87: {  	_ =	shalt  }
.Lfunc_end0:
.L_simem_size_0:
called_computation_lowered:
.L_overlay_start_0:
0x88: {  	s2 =	sld [smem:$0x3FD9]  }
0x89: {  	s3 =	sld [smem:$0x3FFE];
	_ =	sdelay $0x1  }
0x8a: {  	s1 =	srdreg.scid  }
0x8b: {  	s0 =	sand.u32 $0x1, s1  }
0x8c: {  	s17 =	sshll.u32 s0, $0xA;
	s2 =	sadd.s32 s3, s2  }
0x8d: {  	s2 =	sadd.s32 s2, s17  }
0x8e: {  	[smem:$0x3FC2] =	sst s2  }
0x8f: {  	_ = 	snop  }
0x90: {  	s2 =	sld [smem:$0x3FC9]  }
0x91: {  	s18 =	sld [smem:$0x3FC8]  }
0x92: {  	s4 =	sld [smem:$0x3FD0];
	(tm) =	ssettm $0x1  }
0x93: {  	s5 =	sld [smem:$0x3FFB];
	_ =	sdelay $0x3  }
0x94: {  	_ =	strace s5  }
0x95: {  	s5 =	sld [smem:$0x3FFC];
	_ =	sdelay $0x3  }
0x96: {  	_ =	strace s5  }
0x97: {  	s5 =	sld [smem:$0x3FFD];
	_ =	sdelay $0x3  }
0x98: {  	_ =	strace s5  }
0x99: {  	_ =	strace $0x8FFFFFFF  }
0x9a: {  	s19 =	sld [smem:$0x3FDB];
	_ =	sdelay $0x1  }
0x9b: {  	s6 =	simm.s32 $_scs_section_size  }
0x9c: {  	s7 =	simm.s32 $_size__tile_overlayer_lowered;
	s8 =	simm.s32 $_tile_overlayer_lowered  }
0x9d: {  	s22 =	simm.s32 $0x1BFF;
	s21 =	sshll.u32 s8, $0x1;
	s5 =	sadd.s32 s6, s19  }
0x9e: {  	s9 =	simm.s32 $0x0;
	s20 =	sshll.u32 s7, $0x1;
	s7 =	sadd.s32 s21, s5  }
0x9f: {  	[timem:s9], [sflag:s22] =	dma.local [hbm:s7], s20  }
0xa0: {  	_ =	swait.ge [sflag:s22], s20  }
0xa1: {  	s6 =	ssub.s32 $0x0, s20;
	[sflag:s22] =	ssyncset.done $0x0  }
0xa2: {  	[sflag:s22] =	ssyncadd.s32 s6;
	_ =	sdelay $0x1  }
0xa3: {  	s23 =	simm.s32 $0x1B8B  }
0xa4: {  	_ =	swait.ge [sflag:s23], $0x1  }
0xa5: {  	[sflag:s23] =	ssyncset.done $0x0  }
0xa6: {  	s25 =	simm.s32 $0x1B8E;
	s24 =	sld [smem:$0x3FFE];
	[sflag:s23] =	ssyncadd.s32 $0xFFFFFFFF  }
0xa7: {  	s26 =	simm.s32 $execute0_lowered;
	[smem:$0x3FD2] =	sst s25  }
0xa8: {  	s7 =	sshll.u32 s26, $0x1;
	_ =	strace $0x80000046;
	[dreg:$0x1] =	wrdreg $0xFFFFFFFF  }
0xa9: {  	s28 =	simm.s32 $_size_execute0_lowered;
	s5 =	sadd.s32 s5, s7;
	[dreg:$0x0] =	wrdreg $0x0  }
0xaa: {  	s7 =	sshll.u32 s28, $0x1;
	[dreg:$0x2] =	wrdreg s5  }
0xab: {  	[dreg:$0x3] =	wrdreg s7  }
0xac: {  	[dreg:$0x4] =	wrdreg $0xC0  }
0xad: {  	_ =	task [dreg:s9], $0x5FFFF  }
0xae: {  	[dreg:$0x1] =	wrdreg $0xFFFFFFFF  }
0xaf: {  	[dreg:$0x0] =	wrdreg $0x60  }
0xb0: {  	[dreg:$0x2] =	wrdreg s2  }
0xb1: {  	[dreg:$0x3] =	wrdreg s18  }
0xb2: {  	[dreg:$0x4] =	wrdreg s24  }
0xb3: {  	[dreg:$0x5] =	wrdreg s4  }
0xb4: {  	[dreg:$0x6] =	wrdreg $0x9  }
0xb5: {  	_ =	task.clear_ibuf [dreg:s9], $0x7FFFF;
	_ =	strace $0x90000046  }
0xb6: {  	s29 =	simm.s32 $0x9;
	_ =	strace $0x80000048  }
0xb7: {  	_ =	swait.ge [sflag:s29], $0x1  }
0xb8: {  	[sflag:s29] =	ssyncadd.s32 $0xFFFFFFFF  }
0xb9: {  	_ =	strace $0x90000048  }
0xba: {  	_ =	sfence  }
0xbb: {  	s30 =	sld [smem:$0x0];
	_ =	sdelay $0x2  }
0xbc: {  	s31 =	sshll.u32 s1, $0xD;
	s1 =	sshrl.u32 s1, $0x2  }
0xbd: {  	s3 =	sand.u32 $0x4000, s31;
	s1 =	sadd.s32 s1, s30  }
0xbe: {  	s0 =	sor.u32 s3, s0;
	s1 =	sshll.u32 s1, $0x11  }
0xbf: {  	s0 =	sor.u32 s1, s0  }
0xc0: {  	s0 =	sadd.s32 $0x8F2B, s0  }
0xc1: {  	[sflag:s0] =	ssyncadd.remote.s32 $0x1  }
0xc2: {  	_ =	sfence.sel $0xFFFF  }
0xc3: {  	[dreg:$0x0] =	wrdreg $0xFFFFFFFF;
	(pc) =	sbr.abs _section_cstart, $3  }
0xc4: {  	[dreg:$0x1] =	wrdreg $0xFFFFFFFF  }
0xc5: {  	_ =	task.clear_ibuf [dreg:s9], $0x2FFFF;
	_ =	strace $0x9FFFFFFF  }
0xc6: {  	(tm) =	ssettm $0x7FFFFFFF  }
0xc7: {  	_ =	shalt  }
tec
execute0_lowered:
.L_overlay_start_1:
0x0: {  	(tag) =	ssettag $0x1  }
0x1: {  	s6 =	rddreg [dreg:$0x0]  }
0x2: {  	s7 =	rddreg [dreg:$0x1]  }
0x3: {  	s5 =	rddreg [dreg:$0x2]  }
0x4: {  	s8 =	rddreg [dreg:$0x3];
	s1 =	simm.s32 $0x0;
	s9 =	srdreg.scid  }
0x5: {  	s2 =	stileid.u32;
	s13 =	simm.s32 $0x80;
	s14 =	simm.s32 $0x400  }
0x6: {  	s15 =	simm.s32 $0x8400;
	s16 =	simm.s32 $0x4400;
	s17 =	simm.s32 $0x280  }
0x7: {  	s18 =	simm.s32 $0xC400;
	s19 =	simm.s32 $0x1;
	s20 =	simm.s32 $0x100  }
0x8: {  	s21 =	simm.s32 $0x300;
	s22 =	simm.s32 $0x180;
	s23 =	simm.s32 $0x380  }
0x9: {  	s24 =	simm.s32 $0x10480;
	s25 =	simm.s32 $0x0;
	[smem:$0x7FF] =	sst s1  }
0xa: {  	s3 =	sadd.s32 $0x187200, s5;
	s4 =	sadd.s32 $0x600, s5;
	s9 =	sand.u32 $0x1, s9  }
0xb: {  	vm0 =	vmmov $0x1;
	vm1 =	vmmov $0x3;
	vm2 =	vmmov $0x7;
	s11 =	sshll.u32 s2, $0x7;
	s5 =	sadd.s32 $0x10C9800, s5;
	s10 =	ssub.s32 $0x2, s9  }
0xc: {  	vm3 =	vmmov $0xf;
	vm4 =	vmmov $0x1f;
	vm5 =	vmmov $0x3f;
	_ =	strace $0x80000047;
	s9 =	sshll.u32 s9, $0x6;
	s12 =	sshrl.u32 s10, $0x1  }
0xd: {  	vm6 =	vmmov $0x7f;
	vm7 =	vmmov $0xff;
	vm8 =	vmmov $0x1ff;
	s9 =	sor.u32 s9, s11;
	s11 =	simm.s32 $0x200;
	s10 =	ssub.s32 s10, s12  }
0xe: {  	vm9 =	vmmov $0x3ff;
	vm10 =	vmmov $0x7ff;
	vm11 =	vmmov $0xfff;
	s6 =	sadd.s32 s6, s9;
	s7 =	sadd.s32 s7, s9;
	s8 =	sadd.s32 s8, s9  }
0xf: {  	vm12 =	vmmov $0x1fff;
	vm13 =	vmmov $0x3fff;
	vm14 =	vmmov $0x7fff;
	s12 =	simm.s32 $0x10400;
	s9 =	smax.u32 s10, $0x1;
	s10 =	simm.s32 $0x2  }
.LBB2_1:
0x10: {  	[tilespmem:s1], [sflag:$0x2] =	stream.linear.gather [hbm4b:s6+s1], $0x200, $0x38;
	[tilespmem:$0x10680] =	vst v63  }
0x11: {  	_ =	swait.ge [sflag:s10], $0x200  }
0x12: {  	[sflag:s10] =	ssyncset.done $0x0  }
0x13: {  	[sflag:s10] =	ssyncadd.s32 $0xFFFFFE00  }
0x14: {  	[tilespmem:s11], [sflag:$0x2] =	stream.linear.gather [hbm4b:s7+s1], $0x200, $0x38;
	[tilespmem:$0x10680] =	vst v63  }
0x15: {  	_ =	swait.ge [sflag:s10], $0x200  }
0x16: {  	[sflag:s10] =	ssyncset.done $0x0  }
0x17: {  	[sflag:s10] =	ssyncadd.s32 $0xFFFFFE00  }
0x18: {  	[tilespmem:s12], [sflag:$0x2] =	stream.linear.gather [hbm4b:s5+s1], $0x80, $0x38;
	[tilespmem:$0x10680] =	vst v63  }
0x19: {  	_ =	swait.ge [sflag:s10], $0x80  }
0x1a: {  	[sflag:s10] =	ssyncset.done $0x0  }
0x1b: {  	[sflag:s10] =	ssyncadd.s32 $0xFFFFFF80  }
0x1c: {  	v0 =	vld [tilespmem:$0x10400]  }
0x1d: {  	v1 =	vld [tilespmem:$0x10410]  }
0x1e: {  	v2 =	vld.msk [tilespmem:$0x10420 ss:$0x0], $0xffff;
	[tilespmem:s14], [sflag:$0x1] =	stream.indirect.gather [hbm4b:s3+s13], $0x80, s1, s13, $0xb8  }
0x1f: {  	_ = 	snop  }
0x20: {  	[tilespmem:s15], [sflag:$0x1] =	stream.indirect.gather [hbm4b:s4+s13], $0x80, s11, s13, $0xb8;
	[tilespmem:$0x10680] =	vst v63  }
0x21: {  	_ = 	snop  }
0x22: {  	[tilespmem:s16], [sflag:$0x1] =	stream.indirect.gather [hbm4b:s3+s13], $0x80, s13, s13, $0xb8;
	[tilespmem:$0x10680] =	vst v63  }
0x23: {  	_ = 	snop  }
0x24: {  	[tilespmem:s18], [sflag:$0x1] =	stream.indirect.gather [hbm4b:s4+s13], $0x80, s17, s13, $0xb8;
	[tilespmem:$0x10680] =	vst v63  }
0x25: {  	_ =	swait.ge [sflag:s19], $0x4000  }
0x26: {  	[sflag:s19] =	ssyncset.done $0x0  }
0x27: {  	[sflag:s19] =	ssyncadd.s32 $0xFFFFC000  }
0x28: {  	_ =	swait.ge [sflag:s19], $0x4000  }
0x29: {  	[sflag:s19] =	ssyncset.done $0x0  }
0x2a: {  	[sflag:s19] =	ssyncadd.s32 $0xFFFFC000  }
0x2b: {  	_ =	swait.ge [sflag:s19], $0x4000  }
0x2c: {  	[sflag:s19] =	ssyncset.done $0x0  }
0x2d: {  	[sflag:s19] =	ssyncadd.s32 $0xFFFFC000  }
0x2e: {  	_ =	swait.ge [sflag:s19], $0x4000  }
0x2f: {  	[sflag:s19] =	ssyncset.done $0x0  }
0x30: {  	s26 =	simm.s32 $0x0;
	[sflag:s19] =	ssyncadd.s32 $0xFFFFC000  }
0x31: {  	v5 =	vld [tilespmem:s26+$0xB00]  }
0x32: {  	v6 =	vld [tilespmem:s26+$0x8B00]  }
0x33: {  	v7 =	vld [tilespmem:s26+$0xB10]  }
0x34: {  	v8 =	vld [tilespmem:s26+$0x8B10]  }
0x35: {  	v9 =	vld [tilespmem:s26+$0xA00]  }
0x36: {  	v10 =	vld [tilespmem:s26+$0x8A00]  }
0x37: {  	v11 =	vld [tilespmem:s26+$0xA10]  }
0x38: {  	v12 =	vld [tilespmem:s26+$0x8A10]  }
0x39: {  	v13 =	vld [tilespmem:s26+$0x980]  }
0x3a: {  	v14 =	vld [tilespmem:s26+$0x8980]  }
0x3b: {  	v15 =	vld [tilespmem:s26+$0x990]  }
0x3c: {  	v16 =	vld [tilespmem:s26+$0x8990]  }
0x3d: {  	v17 =	vld [tilespmem:s26+$0x900]  }
0x3e: {  	v18 =	vld [tilespmem:s26+$0x880]  }
0x3f: {  	v19 =	vld [tilespmem:s26+$0x8880]  }
0x40: {  	v20 =	vld [tilespmem:s26+$0x890]  }
0x41: {  	v21 =	vld [tilespmem:s26+$0x8890]  }
0x42: {  	v22 =	vld [tilespmem:s26+$0x800]  }
0x43: {  	v23 =	vld [tilespmem:s26+$0x8800]  }
0x44: {  	v24 =	vld [tilespmem:s26+$0x810]  }
0x45: {  	v25 =	vld [tilespmem:s26+$0x8810]  }
0x46: {  	v26 =	vld [tilespmem:s26+$0x780]  }
0x47: {  	v27 =	vld [tilespmem:s26+$0x700]  }
0x48: {  	v28 =	vld [tilespmem:s26+$0x8700]  }
0x49: {  	v29 =	vld [tilespmem:s26+$0x710]  }
0x4a: {  	v30 =	vld [tilespmem:s26+$0x8710]  }
0x4b: {  	v31 =	vld [tilespmem:s26+$0x680]  }
0x4c: {  	v32 =	vld [tilespmem:s26+$0x8680]  }
0x4d: {  	v33 =	vld [tilespmem:s26+$0x690]  }
0x4e: {  	v34 =	vld [tilespmem:s26+$0x8690]  }
0x4f: {  	v35 =	vld [tilespmem:s26+$0x600]  }
0x50: {  	v36 =	vld [tilespmem:s26+$0x580]  }
0x51: {  	v44 =	vld [tilespmem:s26+$0x400];
	v5 =	vmul.f32 v6, v5;
	v6 =	vmul.f32 v8, v7  }
0x52: {  	v46 =	vld [tilespmem:s26+$0x410];
	v8 =	vmul.f32 v10, v9;
	v9 =	vmul.f32 v12, v11  }
0x53: {  	v48 =	vld [tilespmem:s26+$0x8410];
	v11 =	vmul.f32 v14, v13;
	v13 =	vmul.f32 v16, v15  }
0x54: {  	v50 =	vld [tilespmem:s26+$0x480];
	v15 =	vmul.f32 v19, v18;
	v18 =	vmul.f32 v21, v20  }
0x55: {  	v7 =	vld [tilespmem:s26+$0x8580];
	v20 =	vmul.f32 v23, v22;
	v22 =	vmul.f32 v25, v24  }
0x56: {  	v10 =	vld [tilespmem:s26+$0x590];
	v43 =	vmul.f32 v28, v27;
	v45 =	vmul.f32 v30, v29  }
0x57: {  	v12 =	vld [tilespmem:s26+$0x8590];
	v47 =	vmul.f32 v32, v31;
	v49 =	vmul.f32 v34, v33  }
0x58: {  	v14 =	vld [tilespmem:s26+$0x500];
	v5 =	vmul.f32 v5, v0;
	v6 =	vmul.f32 v6, v1  }
0x59: {  	v16 =	vld [tilespmem:s26+$0x8500];
	v8 =	vmul.f32 v8, v0;
	v9 =	vmul.f32 v9, v1  }
0x5a: {  	v19 =	vld [tilespmem:s26+$0x510];
	v11 =	vmul.f32 v11, v0;
	v13 =	vmul.f32 v13, v1  }
0x5b: {  	v21 =	vld [tilespmem:s26+$0x8510];
	v15 =	vmul.f32 v15, v0;
	v18 =	vmul.f32 v18, v1  }
0x5c: {  	v51 =	vld [tilespmem:s26+$0x8480];
	v20 =	vmul.f32 v20, v0;
	v22 =	vmul.f32 v22, v1  }
0x5d: {  	v23 =	vld [tilespmem:s26+$0x8400];
	v24 =	vmul.f32 v43, v0;
	v5 =	vadd.f32 v6, v5;
	v6 =	vmul.f32 v45, v1  }
0x5e: {  	v8 =	vadd.f32 v9, v8;
	v9 =	vmul.f32 v47, v0;
	v10 =	vmul.f32 v12, v10;
	v12 =	vld [tilespmem:s26+$0x490]  }
0x5f: {  	v7 =	vmul.f32 v7, v36;
	v14 =	vmul.f32 v16, v14;
	v16 =	vld [tilespmem:s26+$0x8490]  }
0x60: {  	(xrf2) =	vadd.scan.msk.f32 $0xffff, v5;
	v5 =	vadd.f32 v13, v11;
	v11 =	vmul.f32 v49, v1;
	v13 =	vmul.f32 v21, v19;
	v19 =	vld [tilespmem:s26+$0x8600]  }
0x61: {  	(xrf2) =	vadd.scan.msk.f32 $0xffff, v8;
	v8 =	vadd.f32 v18, v15;
	v7 =	vmul.f32 v7, v0;
	v10 =	vmul.f32 v10, v1;
	v15 =	vld [tilespmem:s26+$0x610]  }
0x62: {  	v14 =	vmul.f32 v14, v0;
	v18 =	vld [tilespmem:s26+$0x8610];
	(xrf2) =	vadd.scan.msk.f32 $0xffff, v5;
	v5 =	vadd.f32 v22, v20;
	v13 =	vmul.f32 v13, v1  }
0x63: {  	v6 =	vadd.f32 v6, v24;
	v21 =	vld [tilespmem:s26+$0x8780];
	v20 =	vmul.f32 v48, v46;
	(xrf2) =	vadd.scan.msk.f32 $0xffff, v8;
	v8 =	vmul.f32 v23, v44  }
0x64: {  	(xrf2) =	vadd.scan.msk.f32 $0xffff, v5;
	v5 =	vadd.f32 v11, v9;
	v9 =	vmul.f32 v51, v50;
	v11 =	vmul.f32 v16, v12;
	v12 =	vld [tilespmem:s26+$0x790]  }
0x65: {  	(xrf2) =	vadd.scan.msk.f32 $0xffff, v6;
	v6 =	vadd.f32 v10, v7;
	v7 =	vmul.f32 v8, v0;
	v8 =	vmul.f32 v20, v1;
	v10 =	vld [tilespmem:s26+$0x8790]  }
0x66: {  	(xrf2) =	vadd.scan.msk.f32 $0xffff, v5;
	v5 =	vadd.f32 v13, v14;
	v9 =	vmul.f32 v9, v0;
	v11 =	vmul.f32 v11, v1;
	v13 =	vld [tilespmem:s26+$0x8900]  }
0x67: {  	v14 =	vld [tilespmem:s26+$0x910];
	(xrf2) =	vadd.scan.msk.f32 $0xffff, v6;
	v6 =	vadd.f32 v8, v7;
	v7 =	vmul.f32 v19, v35;
	v8 =	vmul.f32 v18, v15  }
0x68: {  	(xrf2) =	vadd.scan.msk.f32 $0xffff, v5;
	v5 =	vadd.f32 v11, v9;
	v9 =	vld [tilespmem:s26+$0x8910]  }
0x69: {  	(xrf2) =	vadd.scan.msk.f32 $0xffff, v6;
	v6 =	vmul.f32 v7, v0;
	v7 =	vmul.f32 v8, v1  }
0x6a: {  	v15 =	vmul.f32 v21, v26  }
0x6b: {  	v11, _, _ =	vpop (xrf2);
	v10 =	vmul.f32 v10, v12;
	(xrf2) =	vadd.scan.msk.f32 $0xffff, v5;
	v6 =	vadd.f32 v7, v6  }
0x6c: {  	v4 =	vld [tilespmem:s26+$0xA80];
	v15 =	vmul.f32 v15, v0;
	v13 =	vmul.f32 v13, v17;
	v5, _, _ =	vpop (xrf2)  }
0x6d: {  	v8 =	vld [tilespmem:s26+$0x8A80];
	v10 =	vmul.f32 v10, v1;
	v16, _, _ =	vpop (xrf2);
	v9 =	vmul.f32 v9, v14  }
0x6e: {  	v12 =	vld [tilespmem:s26+$0xA90];
	v19, _, _ =	vpop (xrf2)  }
0x6f: {  	v7 =	vld [tilespmem:s26+$0x8A90];
	(xrf2) =	vadd.scan.msk.f32 $0xffff, v6;
	v13 =	vmul.f32 v13, v0;
	v10 =	vadd.f32 v10, v15;
	v6, _, _ =	vpop (xrf2);
	v9 =	vmul.f32 v9, v1  }
0x70: {  	v15, _, _ =	vpop (xrf2)  }
0x71: {  	v20, _, _ =	vpop (xrf2);
	v9 =	vadd.f32 v9, v13  }
0x72: {  	v3 =	vld [tilespmem:s26+$0xB80];
	v4 =	vmul.f32 v8, v4;
	v8, _, _ =	vpop (xrf2)  }
0x73: {  	v18 =	vld [tilespmem:s26+$0x8B80];
	(xrf2) =	vadd.scan.msk.f32 $0xffff, v10;
	v10, _, _ =	vpop (xrf2)  }
0x74: {  	v17 =	vld [tilespmem:s26+$0x8B90];
	v7 =	vmul.f32 v7, v12;
	v12, _, _ =	vpop (xrf2)  }
0x75: {  	v14 =	vld [tilespmem:s26+$0xB90];
	v4 =	vmul.f32 v4, v0;
	(xrf2) =	vadd.scan.msk.f32 $0xffff, v9;
	v9, _, _ =	vpop (xrf2)  }
0x76: {  	v7 =	vmul.f32 v7, v1;
	v9 =	vbroadcast v9, $0xF;
	_ =	sdelay $0x1  }
0x77: {  	v3 =	vmul.f32 v18, v3;
	v4 =	vadd.f32 v7, v4;
	v12 =	vbroadcast v12, $0xF;
	_ =	sdelay $0x1  }
0x78: {  	v3 =	vmul.f32 v3, v0;
	v7 =	vmul.f32 v17, v14;
	(xrf2) =	vadd.scan.msk.f32 $0xffff, v4;
	v4 =	vsel vm0, v12, v9;
	v9, _, _ =	vpop (xrf2)  }
0x79: {  	v10 =	vbroadcast v10, $0xF;
	v9 =	vbroadcast v9, $0xF  }
0x7a: {  	v8 =	vbroadcast v8, $0xF;
	v7 =	vmul.f32 v7, v1  }
0x7b: {  	v4 =	vsel vm1, v4, v10  }
0x7c: {  	v3 =	vadd.f32 v7, v3;
	v7 =	vbroadcast v20, $0xF;
	v4 =	vsel vm2, v4, v8  }
0x7d: {  	v8 =	vbroadcast v15, $0xF;
	v4 =	vsel vm3, v4, v9;
	v9, _, _ =	vpop (xrf2)  }
0x7e: {  	(xrf2) =	vadd.scan.msk.f32 $0xffff, v3;
	v3 =	vsel vm4, v4, v7;
	v4 =	vbroadcast v9, $0xF  }
0x7f: {  	v6 =	vbroadcast v6, $0xF;
	v3 =	vsel vm5, v3, v8  }
0x80: {  	v7, _, _ =	vpop (xrf2);
	v3 =	vsel vm6, v3, v4  }
0x81: {  	v3 =	vsel vm7, v3, v6;
	v6 =	vbroadcast v7, $0xF  }
0x82: {  	v4 =	vbroadcast v19, $0xF;
	_ =	sdelay $0x1  }
0x83: {  	v3 =	vsel vm8, v3, v4;
	v4 =	vbroadcast v16, $0xF  }
0x84: {  	v3 =	vsel vm9, v3, v6;
	v6, _, _ =	vpop (xrf2)  }
0x85: {  	v5 =	vbroadcast v5, $0xF;
	v3 =	vsel vm10, v3, v4;
	v4 =	vbroadcast v6, $0xF;
	_ =	sdelay $0x1  }
0x86: {  	v3 =	vsel vm11, v3, v5;
	v5 =	vbroadcast v11, $0xF  }
0x87: {  	v3 =	vsel vm12, v3, v4  }
0x88: {  	v3 =	vsel vm13, v3, v5;
	v4, _, _ =	vpop (xrf2)  }
0x89: {  	v3 =	vsel vm14, v3, v4  }
0x8a: {  	v3 =	vadd.f32 v3, v2;
	_ =	sdelay $0x1  }
0x8b: {  	v3 =	vsub.f32 $0.0e+00, v3;
	_ =	sdelay $0x1  }
0x8c: {  	v3 =	vmul.f32 $1.442695020e+00, v3;
	_ =	sdelay $0x1  }
0x8d: {  	(erf) = vpow2.f32 v3;
	_ =	sdelay $0x8  }
0x8e: {  	v3 =	vpop (erf)  }
0x8f: {  	v3 =	vadd.f32 $1.000000000e+00, v3;
	_ =	sdelay $0x1  }
0x90: {  	(erf) = vrcp.f32 v3;
	_ =	sdelay $0x8  }
0x91: {  	v3 =	vpop (erf)  }
0x92: {  	s28 =	simm.s32 $0x800;
	[tilespmem:s24+$0x0] =	vst v3  }
0x93: {  	v3 =	vld [tilespmem:s28+$0xB80]  }
0x94: {  	v6 =	vld [tilespmem:s28+$0xB00]  }
0x95: {  	v7 =	vld [tilespmem:s28+$0x8B00]  }
0x96: {  	v9 =	vld [tilespmem:s28+$0xB10]  }
0x97: {  	v10 =	vld [tilespmem:s28+$0x8B10]  }
0x98: {  	v4 =	vld [tilespmem:s28+$0xA80]  }
0x99: {  	v11 =	vld [tilespmem:s28+$0xA00]  }
0x9a: {  	v12 =	vld [tilespmem:s28+$0x8A00]  }
0x9b: {  	v13 =	vld [tilespmem:s28+$0xA10]  }
0x9c: {  	v14 =	vld [tilespmem:s28+$0x8A10]  }
0x9d: {  	v15 =	vld [tilespmem:s28+$0x980]  }
0x9e: {  	v16 =	vld [tilespmem:s28+$0x8980]  }
0x9f: {  	v17 =	vld [tilespmem:s28+$0x990]  }
0xa0: {  	v18 =	vld [tilespmem:s28+$0x8990]  }
0xa1: {  	v5 =	vld [tilespmem:s28+$0x900]  }
0xa2: {  	v19 =	vld [tilespmem:s28+$0x880]  }
0xa3: {  	v20 =	vld [tilespmem:s28+$0x8880]  }
0xa4: {  	v21 =	vld [tilespmem:s28+$0x890]  }
0xa5: {  	v22 =	vld [tilespmem:s28+$0x8890]  }
0xa6: {  	v23 =	vld [tilespmem:s28+$0x800]  }
0xa7: {  	v52 =	vld [tilespmem:s28+$0x8800]  }
0xa8: {  	v53 =	vld [tilespmem:s28+$0x810]  }
0xa9: {  	v54 =	vld [tilespmem:s28+$0x8810]  }
0xaa: {  	v8 =	vld [tilespmem:s28+$0x780]  }
0xab: {  	v55 =	vld [tilespmem:s28+$0x700]  }
0xac: {  	v56 =	vld [tilespmem:s28+$0x8700];
	v6 =	vmul.f32 v7, v6;
	v9 =	vmul.f32 v10, v9  }
0xad: {  	v57 =	vld [tilespmem:s28+$0x710];
	v10 =	vmul.f32 v12, v11;
	v11 =	vmul.f32 v14, v13  }
0xae: {  	v58 =	vld [tilespmem:s28+$0x680];
	v6 =	vmul.f32 v6, v0;
	v9 =	vmul.f32 v9, v1  }
0xaf: {  	v60 =	vld [tilespmem:s28+$0x8510];
	v14 =	vmul.f32 v16, v15;
	v15 =	vmul.f32 v18, v17  }
0xb0: {  	v7 =	vld [tilespmem:s28+$0x8710];
	v17 =	vmul.f32 v10, v0;
	v11 =	vmul.f32 v11, v1;
	v6 =	vadd.f32 v9, v6  }
0xb1: {  	v12 =	vld [tilespmem:s28+$0x8680];
	v9 =	vmul.f32 v14, v0;
	v14 =	vmul.f32 v15, v1  }
0xb2: {  	v13 =	vld [tilespmem:s28+$0x690];
	v11 =	vadd.f32 v11, v17;
	(xrf2) =	vadd.scan.msk.f32 $0xffff, v6  }
0xb3: {  	v16 =	vld [tilespmem:s28+$0x8690];
	v15 =	vmul.f32 v22, v21;
	v6 =	vadd.f32 v14, v9;
	v14 =	vmul.f32 v20, v19  }
0xb4: {  	v18 =	vld [tilespmem:s28+$0x580];
	(xrf2) =	vadd.scan.msk.f32 $0xffff, v11  }
0xb5: {  	v10 =	vld [tilespmem:s28+$0x600];
	(xrf2) =	vadd.scan.msk.f32 $0xffff, v6;
	v6 =	vmul.f32 v14, v0;
	v14 =	vmul.f32 v15, v1  }
0xb6: {  	v17 =	vld [tilespmem:s28+$0x8580];
	v20 =	vmul.f32 v54, v53;
	v11 =	vmul.f32 v52, v23  }
0xb7: {  	v21 =	vld [tilespmem:s28+$0x500];
	v6 =	vadd.f32 v14, v6  }
0xb8: {  	v9 =	vld [tilespmem:s28+$0x590];
	v20 =	vmul.f32 v20, v1;
	v15 =	vmul.f32 v11, v0  }
0xb9: {  	v59 =	vmul.f32 v56, v55;
	v7 =	vmul.f32 v7, v57;
	v19 =	vld [tilespmem:s28+$0x8590];
	(xrf2) =	vadd.scan.msk.f32 $0xffff, v6  }
0xba: {  	v22 =	vld [tilespmem:s28+$0x8500];
	v61 =	vmul.f32 v12, v58;
	v16 =	vmul.f32 v16, v13;
	v20 =	vadd.f32 v20, v15  }
0xbb: {  	v12 =	vld [tilespmem:s28+$0x400];
	v7 =	vmul.f32 v7, v1;
	v14 =	vmul.f32 v59, v0  }
0xbc: {  	v13 =	vld [tilespmem:s28+$0x410];
	v6, _, _ =	vpop (xrf2);
	(xrf2) =	vadd.scan.msk.f32 $0xffff, v20  }
0xbd: {  	v23 =	vld [tilespmem:s28+$0x510];
	v62 =	vmul.f32 v61, v0;
	v16 =	vmul.f32 v16, v1;
	v63 =	vadd.f32 v7, v14  }
0xbe: {  	v11 =	vld [tilespmem:s28+$0x8400];
	v9 =	vmul.f32 v19, v9  }
0xbf: {  	v17 =	vmul.f32 v17, v18;
	v24 =	vadd.f32 v16, v62;
	v16 =	vld [tilespmem:s28+$0x8480];
	v7, _, _ =	vpop (xrf2);
	(xrf2) =	vadd.scan.msk.f32 $0xffff, v63  }
0xc0: {  	v15 =	vld [tilespmem:s28+$0x8410]  }
0xc1: {  	v18 =	vmul.f32 v17, v0;
	v17 =	vld [tilespmem:s28+$0x490];
	v19 =	vmul.f32 v9, v1  }
0xc2: {  	s29 =	simm.s32 $0x4000;
	s26 =	simm.s32 $0x10480;
	v14 =	vld [tilespmem:s28+$0x480];
	v20 =	vmul.f32 v22, v21;
	v21 =	vmul.f32 v60, v23;
	v9, _, _ =	vpop (xrf2);
	(xrf2) =	vadd.scan.msk.f32 $0xffff, v24  }
.LBB2_2:
0xc3: {  	p0 =	sne.s32 s29, $0x1E000;
	v22 =	vld [tilespmem:s28+$0x8490];
	v18 =	vadd.f32 v19, v18;
	v19, _, _ =	vpop (xrf2)  }
0xc4: {  	v24 =	vmul.f32 v20, v0;
	v21 =	vmul.f32 v21, v1;
	v23 =	vld [tilespmem:s28+$0x8600]  }
0xc5: {  	v11 =	vmul.f32 v11, v12;
	v12 =	vmul.f32 v15, v13;
	v13 =	vld [tilespmem:s28+$0x610];
	(xrf2) =	vadd.scan.msk.f32 $0xffff, v18  }
0xc6: {  	v24 =	vadd.f32 v21, v24;
	v18 =	vld [tilespmem:s28+$0x8610];
	v20, _, _ =	vpop (xrf2)  }
0xc7: {  	v11 =	vmul.f32 v11, v0;
	v12 =	vmul.f32 v12, v1;
	v21 =	vld [tilespmem:s28+$0x8780]  }
0xc8: {  	v14 =	vmul.f32 v16, v14;
	v16 =	vmul.f32 v22, v17;
	v17 =	vld [tilespmem:s28+$0x790];
	(xrf2) =	vadd.scan.msk.f32 $0xffff, v24  }
0xc9: {  	v11 =	vadd.f32 v12, v11;
	v12 =	vld [tilespmem:s28+$0x8790];
	v15, _, _ =	vpop (xrf2)  }
0xca: {  	v14 =	vmul.f32 v14, v0;
	v24 =	vmul.f32 v16, v1;
	v22 =	vld [tilespmem:s28+$0x8900]  }
0xcb: {  	v10 =	vmul.f32 v23, v10;
	v13 =	vmul.f32 v18, v13;
	v18 =	vld [tilespmem:s28+$0x910];
	(xrf2) =	vadd.scan.msk.f32 $0xffff, v11  }
0xcc: {  	v11 =	vadd.f32 v24, v14;
	v14 =	vld [tilespmem:s28+$0x8910];
	v16, _, _ =	vpop (xrf2)  }
0xcd: {  	v10 =	vmul.f32 v10, v0;
	v24 =	vmul.f32 v13, v1;
	v23 =	vld [tilespmem:s28+$0x8A80]  }
0xce: {  	v8 =	vmul.f32 v21, v8;
	v12 =	vmul.f32 v12, v17;
	v17 =	vld [tilespmem:s28+$0xA90];
	(xrf2) =	vadd.scan.msk.f32 $0xffff, v11  }
0xcf: {  	v10 =	vadd.f32 v24, v10;
	v11 =	vld [tilespmem:s28+$0x8A90];
	v13, _, _ =	vpop (xrf2)  }
0xd0: {  	v8 =	vmul.f32 v8, v0;
	v24 =	vmul.f32 v12, v1;
	v21 =	vld [tilespmem:s28+$0x8B80]  }
0xd1: {  	v5 =	vmul.f32 v22, v5;
	v14 =	vmul.f32 v14, v18;
	(xrf2) =	vadd.scan.msk.f32 $0xffff, v10  }
0xd2: {  	v22 =	vadd.f32 v24, v8;
	v10 =	vld [tilespmem:s28+$0xB90];
	v12, _, _ =	vpop (xrf2)  }
0xd3: {  	v5 =	vmul.f32 v5, v0;
	v14 =	vmul.f32 v14, v1;
	v18 =	vld [tilespmem:s28+$0x8B90]  }
0xd4: {  	v4 =	vmul.f32 v23, v4;
	v11 =	vmul.f32 v11, v17;
	(xrf2) =	vadd.scan.msk.f32 $0xffff, v22  }
0xd5: {  	v5 =	vadd.f32 v14, v5;
	v3 =	vmul.f32 v21, v3;
	v8, _, _ =	vpop (xrf2)  }
0xd6: {  	v4 =	vmul.f32 v4, v0;
	v11 =	vmul.f32 v11, v1  }
0xd7: {  	(xrf2) =	vadd.scan.msk.f32 $0xffff, v5  }
0xd8: {  	v3 =	vmul.f32 v3, v0;
	v4 =	vadd.f32 v11, v4;
	v5 =	vmul.f32 v18, v10;
	v10, _, _ =	vpop (xrf2)  }
0xd9: {  	v8 =	vbroadcast v8, $0xF;
	v14 =	vbroadcast v10, $0xF  }
0xda: {  	v11 =	vbroadcast v12, $0xF;
	v5 =	vmul.f32 v5, v1;
	(xrf2) =	vadd.scan.msk.f32 $0xffff, v4  }
0xdb: {  	v4 =	vsel vm0, v8, v14;
	v8 =	vbroadcast v13, $0xF;
	v10, _, _ =	vpop (xrf2)  }
0xdc: {  	v4 =	vsel vm1, v4, v11;
	v11 =	vbroadcast v10, $0xF;
	v3 =	vadd.f32 v5, v3  }
0xdd: {  	v5 =	vbroadcast v16, $0xF;
	v4 =	vsel vm2, v4, v8  }
0xde: {  	v4 =	vsel vm3, v4, v11;
	v11 =	vbroadcast v15, $0xF;
	v10, _, _ =	vpop (xrf2);
	(xrf2) =	vadd.scan.msk.f32 $0xffff, v3  }
0xdf: {  	v3 =	vsel vm4, v4, v5;
	v4 =	vbroadcast v10, $0xF  }
0xe0: {  	v5 =	vbroadcast v20, $0xF;
	v3 =	vsel vm5, v3, v11  }
0xe1: {  	v3 =	vsel vm6, v3, v4;
	v4 =	vbroadcast v19, $0xF;
	v8, _, _ =	vpop (xrf2)  }
0xe2: {  	v3 =	vsel vm7, v3, v5;
	v5 =	vbroadcast v8, $0xF  }
0xe3: {  	v3 =	vsel vm8, v3, v4;
	v4 =	vbroadcast v9, $0xF  }
0xe4: {  	v3 =	vsel vm9, v3, v5;
	v5 =	vbroadcast v7, $0xF;
	v7, _, _ =	vpop (xrf2)  }
0xe5: {  	v3 =	vsel vm10, v3, v4;
	v7 =	vbroadcast v7, $0xF  }
0xe6: {  	v3 =	vsel vm11, v3, v5;
	v5 =	vbroadcast v6, $0xF  }
0xe7: {  	v3 =	vsel vm12, v3, v7  }
0xe8: {  	v3 =	vsel vm13, v3, v5;
	v4, _, _ =	vpop (xrf2)  }
0xe9: {  	v3 =	vsel vm14, v3, v4  }
0xea: {  	v3 =	vadd.f32 v3, v2;
	_ =	sdelay $0x1  }
0xeb: {  	v3 =	vsub.f32 $0.0e+00, v3;
	_ =	sdelay $0x1  }
0xec: {  	v3 =	vmul.f32 $1.442695020e+00, v3;
	_ =	sdelay $0x1  }
0xed: {  	(erf) = vpow2.f32 v3;
	_ =	sdelay $0x8  }
0xee: {  	v3 =	vpop (erf)  }
0xef: {  	v3 =	vadd.f32 $1.000000000e+00, v3;
	_ =	sdelay $0x1  }
0xf0: {  	(erf) = vrcp.f32 v3;
	_ =	sdelay $0x8  }
0xf1: {  	s26 =	sadd.s32 $0x10, s26;
	v3 =	vpop (erf)  }
0xf2: {  	s28 =	sshra.s32 s29, $0x2;
	[tilespmem:s26+$0x0] =	vst v3  }
0xf3: {  	v3 =	vld [tilespmem:s28+$0xB80]  }
0xf4: {  	v6 =	vld [tilespmem:s28+$0xB00]  }
0xf5: {  	v7 =	vld [tilespmem:s28+$0x8B00]  }
0xf6: {  	v9 =	vld [tilespmem:s28+$0xB10]  }
0xf7: {  	v10 =	vld [tilespmem:s28+$0x8B10]  }
0xf8: {  	v4 =	vld [tilespmem:s28+$0xA80]  }
0xf9: {  	v11 =	vld [tilespmem:s28+$0xA00]  }
0xfa: {  	v12 =	vld [tilespmem:s28+$0x8A00]  }
0xfb: {  	v13 =	vld [tilespmem:s28+$0xA10]  }
0xfc: {  	v14 =	vld [tilespmem:s28+$0x8A10]  }
0xfd: {  	v15 =	vld [tilespmem:s28+$0x980]  }
0xfe: {  	v16 =	vld [tilespmem:s28+$0x8980]  }
0xff: {  	v17 =	vld [tilespmem:s28+$0x990]  }
0x100: {  	v18 =	vld [tilespmem:s28+$0x8990]  }
0x101: {  	v5 =	vld [tilespmem:s28+$0x900]  }
0x102: {  	v19 =	vld [tilespmem:s28+$0x880]  }
0x103: {  	v20 =	vld [tilespmem:s28+$0x8880]  }
0x104: {  	v21 =	vld [tilespmem:s28+$0x890]  }
0x105: {  	v22 =	vld [tilespmem:s28+$0x8890]  }
0x106: {  	v23 =	vld [tilespmem:s28+$0x800]  }
0x107: {  	v24 =	vld [tilespmem:s28+$0x8800]  }
0x108: {  	v25 =	vld [tilespmem:s28+$0x810]  }
0x109: {  	v26 =	vld [tilespmem:s28+$0x8810]  }
0x10a: {  	v6 =	vmul.f32 v7, v6;
	v7 =	vmul.f32 v10, v9;
	v8 =	vld [tilespmem:s28+$0x780]  }
0x10b: {  	v9 =	vld [tilespmem:s28+$0x700]  }
0x10c: {  	v6 =	vmul.f32 v6, v0;
	v7 =	vmul.f32 v7, v1;
	v27 =	vld [tilespmem:s28+$0x8700]  }
0x10d: {  	v10 =	vmul.f32 v12, v11;
	v11 =	vmul.f32 v14, v13;
	v28 =	vld [tilespmem:s28+$0x710]  }
0x10e: {  	v6 =	vadd.f32 v7, v6;
	v12 =	vld [tilespmem:s28+$0x8710]  }
0x10f: {  	v10 =	vmul.f32 v10, v0;
	v11 =	vmul.f32 v11, v1;
	v7 =	vld [tilespmem:s28+$0x680]  }
0x110: {  	v14 =	vmul.f32 v16, v15;
	v15 =	vmul.f32 v18, v17;
	v13 =	vld [tilespmem:s28+$0x8680];
	(xrf2) =	vadd.scan.msk.f32 $0xffff, v6  }
0x111: {  	v6 =	vadd.f32 v11, v10;
	v16 =	vld [tilespmem:s28+$0x690]  }
0x112: {  	v11 =	vmul.f32 v14, v0;
	v14 =	vmul.f32 v15, v1;
	v17 =	vld [tilespmem:s28+$0x8690]  }
0x113: {  	v18 =	vmul.f32 v22, v21;
	v15 =	vmul.f32 v20, v19;
	v10 =	vld [tilespmem:s28+$0x600];
	(xrf2) =	vadd.scan.msk.f32 $0xffff, v6  }
0x114: {  	v6 =	vadd.f32 v14, v11;
	v19 =	vld [tilespmem:s28+$0x580]  }
0x115: {  	v11 =	vmul.f32 v15, v0;
	v15 =	vmul.f32 v18, v1;
	v14 =	vld [tilespmem:s28+$0x8580]  }
0x116: {  	v21 =	vmul.f32 v26, v25;
	v20 =	vmul.f32 v24, v23;
	v18 =	vld [tilespmem:s28+$0x590];
	(xrf2) =	vadd.scan.msk.f32 $0xffff, v6  }
0x117: {  	v24 =	vadd.f32 v15, v11;
	v22 =	vld [tilespmem:s28+$0x8590]  }
0x118: {  	v11 =	vmul.f32 v20, v0;
	v15 =	vmul.f32 v21, v1;
	v23 =	vld [tilespmem:s28+$0x500]  }
0x119: {  	v9 =	vmul.f32 v27, v9;
	v12 =	vmul.f32 v12, v28;
	v20 =	vld [tilespmem:s28+$0x8500];
	(xrf2) =	vadd.scan.msk.f32 $0xffff, v24  }
0x11a: {  	v15 =	vadd.f32 v15, v11;
	v21 =	vld [tilespmem:s28+$0x510];
	v6, _, _ =	vpop (xrf2)  }
0x11b: {  	v9 =	vmul.f32 v9, v0;
	v25 =	vmul.f32 v12, v1;
	v24 =	vld [tilespmem:s28+$0x8510]  }
0x11c: {  	v26 =	vmul.f32 v13, v7;
	v16 =	vmul.f32 v17, v16;
	v11 =	vld [tilespmem:s28+$0x8400];
	(xrf2) =	vadd.scan.msk.f32 $0xffff, v15  }
0x11d: {  	v27 =	vadd.f32 v25, v9;
	v12 =	vld [tilespmem:s28+$0x400];
	v7, _, _ =	vpop (xrf2)  }
.Ltmp0:
0x11e: {  	v17 =	vmul.f32 v26, v0;
	v16 =	vmul.f32 v16, v1;
	v13 =	vld [tilespmem:s28+$0x410];
	(pc) =	sbr.rel @p0 .LBB2_2-.Ltmp0, $4  }
0x11f: {  	v19 =	vmul.f32 v14, v19;
	v22 =	vmul.f32 v22, v18;
	v15 =	vld [tilespmem:s28+$0x8410];
	(xrf2) =	vadd.scan.msk.f32 $0xffff, v27  }
0x120: {  	v25 =	vadd.f32 v16, v17;
	v14 =	vld [tilespmem:s28+$0x480];
	v9, _, _ =	vpop (xrf2)  }
0x121: {  	v18 =	vmul.f32 v19, v0;
	v19 =	vmul.f32 v22, v1;
	v16 =	vld [tilespmem:s28+$0x8480]  }
0x122: {  	s29 =	sadd.s32 $0x2000, s29;
	v20 =	vmul.f32 v20, v23;
	v21 =	vmul.f32 v24, v21;
	v17 =	vld [tilespmem:s28+$0x490];
	(xrf2) =	vadd.scan.msk.f32 $0xffff, v25  }
0x123: {  	v22 =	vld [tilespmem:s28+$0x8490]  }
0x124: {  	v23 =	vld [tilespmem:s28+$0x8600]  }
0x125: {  	v24 =	vld [tilespmem:s28+$0x610]  }
0x126: {  	v25 =	vld [tilespmem:s28+$0x8610];
	v11 =	vmul.f32 v11, v12;
	v20 =	vmul.f32 v20, v0  }
0x127: {  	v57 =	vld [tilespmem:s28+$0x8780];
	v21 =	vmul.f32 v21, v1;
	v56 =	vmul.f32 v15, v13  }
0x128: {  	v59 =	vld [tilespmem:s28+$0x790];
	v14 =	vmul.f32 v16, v14;
	v58 =	vmul.f32 v22, v17  }
0x129: {  	v60 =	vadd.f32 v19, v18;
	v61 =	vld [tilespmem:s28+$0x8790];
	v11 =	vmul.f32 v11, v0;
	v12 =	vmul.f32 v56, v1  }
0x12a: {  	v63 =	vld [tilespmem:s28+$0x8900];
	v62 =	vadd.f32 v21, v20;
	v14 =	vmul.f32 v14, v0;
	v15 =	vmul.f32 v58, v1  }
0x12b: {  	(xrf2) =	vadd.scan.msk.f32 $0xffff, v60;
	v11 =	vadd.f32 v12, v11;
	v10 =	vmul.f32 v23, v10;
	v21 =	vmul.f32 v25, v24;
	v22 =	vld [tilespmem:s28+$0x910]  }
0x12c: {  	(xrf2) =	vadd.scan.msk.f32 $0xffff, v62;
	v23 =	vld [tilespmem:s28+$0x8910];
	v14 =	vadd.f32 v15, v14  }
0x12d: {  	v27 =	vld [tilespmem:s28+$0xA90];
	(xrf2) =	vadd.scan.msk.f32 $0xffff, v11;
	v10 =	vmul.f32 v10, v0;
	v24 =	vmul.f32 v21, v1  }
0x12e: {  	v28 =	vld [tilespmem:s28+$0x8A90];
	v8 =	vmul.f32 v57, v8;
	v26 =	vmul.f32 v61, v59;
	(xrf2) =	vadd.scan.msk.f32 $0xffff, v14  }
0x12f: {  	v25 =	vld [tilespmem:s28+$0x8A80];
	v10 =	vadd.f32 v24, v10  }
0x130: {  	v8 =	vmul.f32 v8, v0;
	v13 =	vmul.f32 v26, v1  }
0x131: {  	v29 =	vld [tilespmem:s28+$0x8B80];
	v30, _, _ =	vpop (xrf2);
	v5 =	vmul.f32 v63, v5;
	v15 =	vmul.f32 v23, v22;
	(xrf2) =	vadd.scan.msk.f32 $0xffff, v10  }
0x132: {  	v32 =	vld [tilespmem:s28+$0xB90];
	v31, _, _ =	vpop (xrf2);
	v8 =	vadd.f32 v13, v8  }
0x133: {  	v34 =	vld [tilespmem:s28+$0x8B90];
	v33, _, _ =	vpop (xrf2);
	v5 =	vmul.f32 v5, v0;
	v15 =	vmul.f32 v15, v1  }
0x134: {  	v11 =	vmul.f32 v28, v27;
	v35, _, _ =	vpop (xrf2);
	v4 =	vmul.f32 v25, v4;
	(xrf2) =	vadd.scan.msk.f32 $0xffff, v8  }
0x135: {  	v36, _, _ =	vpop (xrf2);
	v5 =	vadd.f32 v15, v5  }
0x136: {  	v11 =	vmul.f32 v11, v1;
	v4 =	vmul.f32 v4, v0;
	v37, _, _ =	vpop (xrf2)  }
0x137: {  	(xrf2) =	vadd.scan.msk.f32 $0xffff, v5;
	v38, _, _ =	vpop (xrf2)  }
0x138: {  	v3 =	vmul.f32 v29, v3;
	v4 =	vadd.f32 v11, v4;
	v5 =	vmul.f32 v34, v32;
	v39, _, _ =	vpop (xrf2)  }
0x139: {  	v40 =	vbroadcast v38, $0xF;
	v11 =	vbroadcast v39, $0xF  }
0x13a: {  	v3 =	vmul.f32 v3, v0;
	v12 =	vbroadcast v37, $0xF;
	(xrf2) =	vadd.scan.msk.f32 $0xffff, v4  }
0x13b: {  	v8 =	vbroadcast v36, $0xF;
	v5 =	vmul.f32 v5, v1;
	v41, _, _ =	vpop (xrf2);
	v4 =	vsel vm0, v40, v11  }
0x13c: {  	v11 =	vbroadcast v41, $0xF;
	v4 =	vsel vm1, v4, v12  }
0x13d: {  	v3 =	vadd.f32 v5, v3;
	v5 =	vbroadcast v35, $0xF;
	v4 =	vsel vm2, v4, v8  }
0x13e: {  	v42 =	vbroadcast v33, $0xF;
	v43, _, _ =	vpop (xrf2);
	v4 =	vsel vm3, v4, v11  }
0x13f: {  	(xrf2) =	vadd.scan.msk.f32 $0xffff, v3;
	v3 =	vsel vm4, v4, v5;
	v4 =	vbroadcast v43, $0xF  }
0x140: {  	v5 =	vbroadcast v31, $0xF;
	v3 =	vsel vm5, v3, v42  }
0x141: {  	v44, _, _ =	vpop (xrf2);
	v3 =	vsel vm6, v3, v4;
	v4 =	vbroadcast v30, $0xF  }
0x142: {  	v3 =	vsel vm7, v3, v5;
	v5 =	vbroadcast v44, $0xF  }
0x143: {  	v3 =	vsel vm8, v3, v4;
	v4 =	vbroadcast v9, $0xF  }
0x144: {  	v45, _, _ =	vpop (xrf2);
	v3 =	vsel vm9, v3, v5  }
0x145: {  	v5 =	vbroadcast v7, $0xF;
	v3 =	vsel vm10, v3, v4;
	v4 =	vbroadcast v45, $0xF;
	_ =	sdelay $0x1  }
0x146: {  	v3 =	vsel vm11, v3, v5;
	v5 =	vbroadcast v6, $0xF  }
0x147: {  	v3 =	vsel vm12, v3, v4  }
0x148: {  	v3 =	vsel vm13, v3, v5;
	v4, _, _ =	vpop (xrf2)  }
0x149: {  	v3 =	vsel vm14, v3, v4  }
0x14a: {  	v3 =	vadd.f32 v3, v2;
	_ =	sdelay $0x1  }
0x14b: {  	v3 =	vsub.f32 $0.0e+00, v3;
	_ =	sdelay $0x1  }
0x14c: {  	v3 =	vmul.f32 $1.442695020e+00, v3;
	_ =	sdelay $0x1  }
0x14d: {  	(erf) = vpow2.f32 v3;
	_ =	sdelay $0x8  }
0x14e: {  	v3 =	vpop (erf)  }
0x14f: {  	v3 =	vadd.f32 $1.000000000e+00, v3;
	_ =	sdelay $0x1  }
0x150: {  	(erf) = vrcp.f32 v3;
	_ =	sdelay $0x8  }
0x151: {  	s26 =	sadd.s32 $0x10, s26;
	v3 =	vpop (erf)  }
0x152: {  	[tilespmem:s26+$0x0] =	vst v3  }
0x153: {  	[tilespmem:s14], [sflag:$0x1] =	stream.indirect.gather [hbm4b:s3+s13], $0x80, s20, s13, $0xb8;
	[tilespmem:$0x10680] =	vst v63  }
0x154: {  	_ = 	snop  }
0x155: {  	[tilespmem:s15], [sflag:$0x1] =	stream.indirect.gather [hbm4b:s4+s13], $0x80, s21, s13, $0xb8;
	[tilespmem:$0x10680] =	vst v63  }
0x156: {  	_ = 	snop  }
0x157: {  	[tilespmem:s16], [sflag:$0x1] =	stream.indirect.gather [hbm4b:s3+s13], $0x80, s22, s13, $0xb8;
	[tilespmem:$0x10680] =	vst v63  }
0x158: {  	_ = 	snop  }
0x159: {  	[tilespmem:s18], [sflag:$0x1] =	stream.indirect.gather [hbm4b:s4+s13], $0x80, s23, s13, $0xb8;
	[tilespmem:$0x10680] =	vst v63  }
0x15a: {  	_ =	swait.ge [sflag:s19], $0x4000  }
0x15b: {  	[sflag:s19] =	ssyncset.done $0x0  }
0x15c: {  	[sflag:s19] =	ssyncadd.s32 $0xFFFFC000  }
0x15d: {  	_ =	swait.ge [sflag:s19], $0x4000  }
0x15e: {  	[sflag:s19] =	ssyncset.done $0x0  }
0x15f: {  	[sflag:s19] =	ssyncadd.s32 $0xFFFFC000  }
0x160: {  	_ =	swait.ge [sflag:s19], $0x4000  }
0x161: {  	[sflag:s19] =	ssyncset.done $0x0  }
0x162: {  	[sflag:s19] =	ssyncadd.s32 $0xFFFFC000  }
0x163: {  	_ =	swait.ge [sflag:s19], $0x4000  }
0x164: {  	[sflag:s19] =	ssyncset.done $0x0  }
0x165: {  	s26 =	simm.s32 $0x8800;
	[sflag:s19] =	ssyncadd.s32 $0xFFFFC000  }
0x166: {  	s28 =	simm.s32 $0x800;
	v3 =	vld [tilespmem:s26+$0x310]  }
0x167: {  	v4 =	vld [tilespmem:s28+$0xFFFFFC00]  }
0x168: {  	v5 =	vld [tilespmem:s26+$0xFFFFFC90]  }
0x169: {  	v46 =	vld [tilespmem:s26+$0xFFFFFC80]  }
0x16a: {  	v47 =	vld [tilespmem:s28+$0xFFFFFC90]  }
0x16b: {  	v48 =	vld [tilespmem:s28+$0xFFFFFC80]  }
0x16c: {  	v49 =	vld [tilespmem:s26+$0xFFFFFC00]  }
0x16d: {  	v10 =	vld [tilespmem:s26+$0x290]  }
0x16e: {  	v11 =	vld [tilespmem:s26+$0x180]  }
0x16f: {  	v12 =	vld [tilespmem:s26+$0x190]  }
0x170: {  	v13 =	vld [tilespmem:s26+$0x110]  }
0x171: {  	v14 =	vld [tilespmem:s26+$0x10]  }
0x172: {  	v15 =	vld [tilespmem:s26+$0xFFFFFF90]  }
0x173: {  	v16 =	vld [tilespmem:s26+$0xFFFFFF10]  }
0x174: {  	v17 =	vld [tilespmem:s26+$0xFFFFFE90]  }
0x175: {  	v50 =	vld [tilespmem:s26+$0xFFFFFE10]  }
0x176: {  	v51 =	vld [tilespmem:s26+$0xFFFFFD90]  }
0x177: {  	v52 =	vld [tilespmem:s26+$0xFFFFFD00]  }
0x178: {  	v53 =	vld [tilespmem:s26+$0xFFFFFD10]  }
0x179: {  	v54 =	vld [tilespmem:s28+$0xFFFFFD10]  }
0x17a: {  	v55 =	vld [tilespmem:s26+$0xFFFFFC10]  }
0x17b: {  	v56 =	vld [tilespmem:s28+$0xFFFFFC10]  }
0x17c: {  	v57 =	vld [tilespmem:s28+$0xFFFFFD00]  }
0x17d: {  	v26 =	vld [tilespmem:s26+$0xFFFFFD80]  }
0x17e: {  	v27 =	vld [tilespmem:s28+$0xFFFFFD90]  }
0x17f: {  	v28 =	vld [tilespmem:s28+$0xFFFFFD80]  }
0x180: {  	v29 =	vld [tilespmem:s26+$0xFFFFFE00]  }
0x181: {  	v30 =	vld [tilespmem:s28+$0xFFFFFE10]  }
0x182: {  	v31 =	vld [tilespmem:s28+$0xFFFFFE00]  }
0x183: {  	v32 =	vld [tilespmem:s26+$0xFFFFFE80]  }
0x184: {  	v33 =	vld [tilespmem:s28+$0xFFFFFE90]  }
0x185: {  	v34 =	vld [tilespmem:s28+$0xFFFFFE80]  }
0x186: {  	v35 =	vld [tilespmem:s26+$0xFFFFFF00]  }
0x187: {  	v36 =	vld [tilespmem:s28+$0xFFFFFF10]  }
0x188: {  	v37 =	vld [tilespmem:s28+$0xFFFFFF00]  }
0x189: {  	v58 =	vld [tilespmem:s26+$0xFFFFFF80]  }
0x18a: {  	v60 =	vld [tilespmem:s28+$0xFFFFFF90]  }
0x18b: {  	v61 =	vld [tilespmem:s28+$0xFFFFFF80];
	v5 =	vmul.f32 v5, v47  }
0x18c: {  	v62 =	vld [tilespmem:s26+$0x0];
	v6 =	vmul.f32 v46, v48;
	v4 =	vmul.f32 v49, v4  }
0x18d: {  	v41 =	vld [tilespmem:s26+$0x80];
	v59 =	vmul.f32 v55, v56;
	v20 =	vmul.f32 v52, v57  }
0x18e: {  	v43 =	vld [tilespmem:s28+$0x80];
	v42 =	vmul.f32 v26, v28;
	v19 =	vmul.f32 v51, v27  }
0x18f: {  	v63 =	vld [tilespmem:s28+$0x10];
	v44 =	vmul.f32 v29, v31;
	v18 =	vmul.f32 v50, v30  }
0x190: {  	v40 =	vld [tilespmem:s28+$0x0];
	v48 =	vmul.f32 v32, v34;
	v17 =	vmul.f32 v17, v33  }
0x191: {  	v45 =	vld [tilespmem:s26+$0x90];
	v50 =	vmul.f32 v35, v37;
	v16 =	vmul.f32 v16, v36  }
0x192: {  	v46 =	vld [tilespmem:s26+$0x100];
	v7 =	vmul.f32 v58, v61;
	v9 =	vmul.f32 v15, v60  }
0x193: {  	v47 =	vld [tilespmem:s28+$0x100];
	v21 =	vmul.f32 v41, v43;
	v6 =	vmul.f32 v6, v0  }
0x194: {  	v49 =	vld [tilespmem:s28+$0x110];
	v5 =	vmul.f32 v5, v1;
	v4 =	vmul.f32 v4, v0  }
0x195: {  	v51 =	vld [tilespmem:s28+$0x190];
	v8 =	vmul.f32 v59, v1;
	v20 =	vmul.f32 v20, v0  }
0x196: {  	v52 =	vld [tilespmem:s28+$0x180];
	v22 =	vmul.f32 v42, v0;
	v19 =	vmul.f32 v19, v1  }
0x197: {  	v57 =	vld [tilespmem:s28+$0x200];
	v26 =	vmul.f32 v44, v0;
	v18 =	vmul.f32 v18, v1  }
0x198: {  	v58 =	vld [tilespmem:s26+$0x200];
	v30 =	vmul.f32 v48, v0;
	v17 =	vmul.f32 v17, v1  }
0x199: {  	v33 =	vld [tilespmem:s28+$0x300];
	v32 =	vmul.f32 v50, v0;
	v16 =	vmul.f32 v16, v1;
	v5 =	vadd.f32 v5, v6  }
0x19a: {  	v34 =	vld [tilespmem:s26+$0x300];
	v7 =	vmul.f32 v7, v0;
	v9 =	vmul.f32 v9, v1  }
0x19b: {  	v55 =	vld [tilespmem:s28+$0x210];
	v4 =	vadd.f32 v8, v4;
	v8 =	vmul.f32 v62, v40;
	(xrf2) =	vadd.scan.msk.f32 $0xffff, v5;
	v5 =	vmul.f32 v53, v54  }
0x19c: {  	v60 =	vld [tilespmem:s28+$0x280];
	v6 =	vmul.f32 v14, v63;
	v61 =	vmul.f32 v46, v47  }
0x19d: {  	v13 =	vmul.f32 v13, v49;
	(xrf2) =	vadd.scan.msk.f32 $0xffff, v4;
	v4 =	vld [tilespmem:s28+$0x90];
	v5 =	vmul.f32 v5, v1  }
0x19e: {  	v59 =	vld [tilespmem:s28+$0x290];
	v12 =	vmul.f32 v12, v51;
	v11 =	vmul.f32 v11, v52  }
0x19f: {  	v62 =	vld [tilespmem:s26+$0x280];
	v42 =	vmul.f32 v58, v57;
	v48 =	vmul.f32 v34, v33;
	v5 =	vadd.f32 v5, v20  }
0x1a0: {  	v19 =	vadd.f32 v19, v22;
	v53 =	vld [tilespmem:s26+$0x210];
	v8 =	vmul.f32 v8, v0;
	v6 =	vmul.f32 v6, v1  }
0x1a1: {  	v63 =	vld [tilespmem:s28+$0x310];
	v18 =	vadd.f32 v18, v26;
	v37 =	vmul.f32 v61, v0;
	v13 =	vmul.f32 v13, v1;
	(xrf2) =	vadd.scan.msk.f32 $0xffff, v5  }
0x1a2: {  	v38 =	vld [tilespmem:s26+$0x380];
	v17 =	vadd.f32 v17, v30;
	v11 =	vmul.f32 v11, v0;
	v4 =	vmul.f32 v45, v4;
	(xrf2) =	vadd.scan.msk.f32 $0xffff, v19  }
0x1a3: {  	v43 =	vld [tilespmem:s28+$0x390];
	v16 =	vadd.f32 v16, v32;
	v41 =	vmul.f32 v12, v1;
	v10 =	vmul.f32 v10, v59;
	(xrf2) =	vadd.scan.msk.f32 $0xffff, v18  }
0x1a4: {  	v40 =	vld [tilespmem:s26+$0x390];
	v7 =	vadd.f32 v9, v7;
	v5 =	vmul.f32 v21, v0;
	v4 =	vmul.f32 v4, v1;
	(xrf2) =	vadd.scan.msk.f32 $0xffff, v17  }
0x1a5: {  	v50 =	vmul.f32 v48, v0;
	v6 =	vadd.f32 v6, v8;
	v39 =	vmul.f32 v53, v55;
	v45 =	vld [tilespmem:s28+$0x380];
	(xrf2) =	vadd.scan.msk.f32 $0xffff, v16  }
0x1a6: {  	v46 =	vmul.f32 v62, v60;
	v3 =	vmul.f32 v3, v63;
	v4 =	vadd.f32 v4, v5;
	(xrf2) =	vadd.scan.msk.f32 $0xffff, v7  }
0x1a7: {  	v47 =	vadd.f32 v13, v37;
	v44 =	vmul.f32 v39, v1;
	v5 =	vmul.f32 v42, v0;
	(xrf2) =	vadd.scan.msk.f32 $0xffff, v6  }
0x1a8: {  	v49 =	vmul.f32 v10, v1;
	v54, _, _ =	vpop (xrf2);
	v7 =	vmul.f32 v46, v0;
	(xrf2) =	vadd.scan.msk.f32 $0xffff, v4;
	v4 =	vadd.f32 v41, v11  }
0x1a9: {  	v52 =	vmul.f32 v40, v43;
	v3 =	vmul.f32 v3, v1;
	v56, _, _ =	vpop (xrf2);
	v5 =	vadd.f32 v44, v5;
	(xrf2) =	vadd.scan.msk.f32 $0xffff, v47  }
0x1aa: {  	v53 =	vmul.f32 v38, v45;
	v15 =	vbroadcast v56, $0xF;
	(xrf2) =	vadd.scan.msk.f32 $0xffff, v4;
	v4 =	vadd.f32 v49, v7  }
0x1ab: {  	v3 =	vadd.f32 v3, v50;
	v7 =	vmul.f32 v52, v1;
	v51, _, _ =	vpop (xrf2);
	(xrf2) =	vadd.scan.msk.f32 $0xffff, v5;
	v5 =	vbroadcast v54, $0xF  }
0x1ac: {  	v8 =	vbroadcast v51, $0xF;
	v54, _, _ =	vpop (xrf2);
	(xrf2) =	vadd.scan.msk.f32 $0xffff, v4;
	v4 =	vmul.f32 v53, v0  }
0x1ad: {  	v6 =	vbroadcast v54, $0xF;
	v55, _, _ =	vpop (xrf2);
	v5 =	vsel vm0, v15, v5  }
0x1ae: {  	v9 =	vbroadcast v55, $0xF;
	v5 =	vsel vm1, v5, v8;
	v4 =	vadd.f32 v7, v4  }
0x1af: {  	(xrf2) =	vadd.scan.msk.f32 $0xffff, v3;
	v3, _, _ =	vpop (xrf2);
	v5 =	vsel vm2, v5, v6  }
0x1b0: {  	v56, _, _ =	vpop (xrf2);
	v3 =	vbroadcast v3, $0xF;
	v5 =	vsel vm3, v5, v9  }
0x1b1: {  	v57 =	vbroadcast v56, $0xF;
	v58, _, _ =	vpop (xrf2)  }
0x1b2: {  	(xrf2) =	vadd.scan.msk.f32 $0xffff, v4;
	v7 =	vbroadcast v58, $0xF;
	v3 =	vsel vm4, v5, v3;
	v4, _, _ =	vpop (xrf2)  }
0x1b3: {  	v3 =	vsel vm5, v3, v57;
	v5, _, _ =	vpop (xrf2);
	v4 =	vbroadcast v4, $0xF  }
0x1b4: {  	v3 =	vsel vm6, v3, v7;
	v59, _, _ =	vpop (xrf2);
	v5 =	vbroadcast v5, $0xF  }
0x1b5: {  	v60, _, _ =	vpop (xrf2);
	v6 =	vbroadcast v59, $0xF;
	v3 =	vsel vm7, v3, v4  }
0x1b6: {  	v4 =	vbroadcast v60, $0xF;
	v61, _, _ =	vpop (xrf2);
	v3 =	vsel vm8, v3, v5  }
0x1b7: {  	v62, _, _ =	vpop (xrf2);
	v3 =	vsel vm9, v3, v6  }
0x1b8: {  	v5 =	vbroadcast v61, $0xF;
	v3 =	vsel vm10, v3, v4;
	v4 =	vbroadcast v62, $0xF  }
0x1b9: {  	v63, _, _ =	vpop (xrf2)  }
0x1ba: {  	v3 =	vsel vm11, v3, v5;
	v5 =	vbroadcast v63, $0xF  }
0x1bb: {  	v3 =	vsel vm12, v3, v4  }
0x1bc: {  	v3 =	vsel vm13, v3, v5;
	v4, _, _ =	vpop (xrf2)  }
0x1bd: {  	v3 =	vsel vm14, v3, v4  }
0x1be: {  	s29 =	simm.s32 $0x0;
	s30 =	simm.s32 $0x10;
	v3 =	vadd.f32 v3, v2  }
.LBB2_4:
0x1bf: {  	_ = 	snop  }
0x1c0: {  	p0 =	sne.s32 s30, $0xF0;
	s28 =	sadd.s32 $0x800, s28;
	s26 =	sadd.s32 $0x800, s26;
	v3 =	vsub.f32 $0.0e+00, v3  }
0x1c1: {  	s31 =	smov.u32 s30;
	s30 =	sadd.s32 $0x10, s30  }
0x1c2: {  	v3 =	vmul.f32 $1.442695020e+00, v3;
	_ =	sdelay $0x1  }
0x1c3: {  	(erf) = vpow2.f32 v3;
	_ =	sdelay $0x8  }
0x1c4: {  	v3 =	vpop (erf)  }
0x1c5: {  	v3 =	vadd.f32 $1.000000000e+00, v3;
	_ =	sdelay $0x1  }
0x1c6: {  	(erf) = vrcp.f32 v3;
	_ =	sdelay $0x8  }
0x1c7: {  	s0 =	sand.u32 $0xF0, s29;
	s29 =	smov.u32 s31;
	v3 =	vpop (erf)  }
0x1c8: {  	[tilespmem:s0+$0x10580] =	vst v3  }
0x1c9: {  	v3 =	vld [tilespmem:s26+$0x310]  }
0x1ca: {  	v5 =	vld [tilespmem:s28+$0xFFFFFC00]  }
0x1cb: {  	v7 =	vld [tilespmem:s26+$0xFFFFFC90]  }
0x1cc: {  	v8 =	vld [tilespmem:s26+$0xFFFFFC80]  }
0x1cd: {  	v9 =	vld [tilespmem:s28+$0xFFFFFC90]  }
0x1ce: {  	v10 =	vld [tilespmem:s28+$0xFFFFFC80]  }
0x1cf: {  	v11 =	vld [tilespmem:s26+$0xFFFFFC00]  }
0x1d0: {  	v4 =	vld [tilespmem:s26+$0x290]  }
0x1d1: {  	v6 =	vld [tilespmem:s26+$0x180]  }
0x1d2: {  	v9 =	vmul.f32 v7, v9;
	v7 =	vld [tilespmem:s26+$0x190]  }
0x1d3: {  	v10 =	vmul.f32 v8, v10;
	v8 =	vld [tilespmem:s26+$0x110]  }
0x1d4: {  	v11 =	vmul.f32 v11, v5;
	v12 =	vld [tilespmem:s26+$0x10]  }
0x1d5: {  	v9 =	vmul.f32 v9, v1;
	v5 =	vmul.f32 v10, v0;
	v10 =	vld [tilespmem:s26+$0xFFFFFF90]  }
0x1d6: {  	v13 =	vld [tilespmem:s26+$0xFFFFFF10]  }
0x1d7: {  	v5 =	vadd.f32 v9, v5;
	v9 =	vld [tilespmem:s26+$0xFFFFFE90]  }
0x1d8: {  	v14 =	vld [tilespmem:s26+$0xFFFFFE10]  }
0x1d9: {  	v15 =	vld [tilespmem:s26+$0xFFFFFD90];
	(xrf2) =	vadd.scan.msk.f32 $0xffff, v5  }
0x1da: {  	v16 =	vld [tilespmem:s26+$0xFFFFFD00]  }
0x1db: {  	v5 =	vld [tilespmem:s26+$0xFFFFFD10]  }
0x1dc: {  	v17 =	vld [tilespmem:s28+$0xFFFFFD10]  }
0x1dd: {  	v18 =	vld [tilespmem:s26+$0xFFFFFC10]  }
0x1de: {  	v19 =	vld [tilespmem:s28+$0xFFFFFC10]  }
0x1df: {  	v20 =	vld [tilespmem:s28+$0xFFFFFD00]  }
0x1e0: {  	v21 =	vld [tilespmem:s26+$0xFFFFFD80]  }
0x1e1: {  	v17 =	vmul.f32 v5, v17;
	v22 =	vld [tilespmem:s28+$0xFFFFFD90]  }
0x1e2: {  	v23 =	vld [tilespmem:s28+$0xFFFFFD80]  }
0x1e3: {  	v18 =	vmul.f32 v18, v19;
	v19 =	vld [tilespmem:s26+$0xFFFFFE00];
	v5, _, _ =	vpop (xrf2)  }
0x1e4: {  	v16 =	vmul.f32 v16, v20;
	v20 =	vld [tilespmem:s28+$0xFFFFFE10]  }
0x1e5: {  	v11 =	vmul.f32 v11, v0;
	v18 =	vmul.f32 v18, v1;
	v24 =	vld [tilespmem:s28+$0xFFFFFE00]  }
0x1e6: {  	v17 =	vmul.f32 v17, v1;
	v16 =	vmul.f32 v16, v0;
	v25 =	vld [tilespmem:s26+$0xFFFFFE80]  }
0x1e7: {  	v15 =	vmul.f32 v15, v22;
	v11 =	vadd.f32 v18, v11;
	v18 =	vmul.f32 v21, v23;
	v21 =	vld [tilespmem:s28+$0xFFFFFE90]  }
0x1e8: {  	v16 =	vadd.f32 v17, v16;
	v17 =	vld [tilespmem:s28+$0xFFFFFE80]  }
0x1e9: {  	v15 =	vmul.f32 v15, v1;
	v18 =	vmul.f32 v18, v0;
	v22 =	vld [tilespmem:s26+$0xFFFFFF00];
	(xrf2) =	vadd.scan.msk.f32 $0xffff, v11  }
0x1ea: {  	v14 =	vmul.f32 v14, v20;
	v11 =	vmul.f32 v19, v24;
	v19 =	vld [tilespmem:s28+$0xFFFFFF10]  }
0x1eb: {  	v15 =	vadd.f32 v15, v18;
	v18 =	vld [tilespmem:s28+$0xFFFFFF00]  }
0x1ec: {  	v14 =	vmul.f32 v14, v1;
	v11 =	vmul.f32 v11, v0;
	v20 =	vld [tilespmem:s26+$0xFFFFFF80];
	(xrf2) =	vadd.scan.msk.f32 $0xffff, v16  }
0x1ed: {  	v9 =	vmul.f32 v9, v21;
	v16 =	vmul.f32 v25, v17;
	v17 =	vld [tilespmem:s28+$0xFFFFFF90]  }
0x1ee: {  	v11 =	vadd.f32 v14, v11;
	v14 =	vld [tilespmem:s28+$0xFFFFFF80]  }
0x1ef: {  	v9 =	vmul.f32 v9, v1;
	v16 =	vmul.f32 v16, v0;
	v21 =	vld [tilespmem:s26+$0x0];
	(xrf2) =	vadd.scan.msk.f32 $0xffff, v15  }
0x1f0: {  	v13 =	vmul.f32 v13, v19;
	v15 =	vmul.f32 v22, v18;
	v18 =	vld [tilespmem:s28+$0x10]  }
0x1f1: {  	v9 =	vadd.f32 v9, v16;
	v16 =	vld [tilespmem:s28+$0x0]  }
0x1f2: {  	v13 =	vmul.f32 v13, v1;
	v15 =	vmul.f32 v15, v0;
	v19 =	vld [tilespmem:s26+$0x80];
	(xrf2) =	vadd.scan.msk.f32 $0xffff, v11  }
0x1f3: {  	v10 =	vmul.f32 v10, v17;
	v11 =	vmul.f32 v20, v14;
	v14 =	vld [tilespmem:s28+$0x90];
	v17, _, _ =	vpop (xrf2)  }
0x1f4: {  	v17 =	vbroadcast v17, $0xF;
	v13 =	vadd.f32 v13, v15;
	v15 =	vld [tilespmem:s28+$0x80]  }
0x1f5: {  	v10 =	vmul.f32 v10, v1;
	v11 =	vmul.f32 v11, v0;
	v20 =	vld [tilespmem:s26+$0x90];
	(xrf2) =	vadd.scan.msk.f32 $0xffff, v9  }
0x1f6: {  	v12 =	vmul.f32 v12, v18;
	v9 =	vmul.f32 v21, v16;
	v16 =	vld [tilespmem:s26+$0x100];
	v18, _, _ =	vpop (xrf2)  }
0x1f7: {  	v10 =	vadd.f32 v10, v11;
	v11 =	vld [tilespmem:s28+$0x100]  }
0x1f8: {  	v12 =	vmul.f32 v12, v1;
	v9 =	vmul.f32 v9, v0;
	v21 =	vld [tilespmem:s28+$0x110];
	(xrf2) =	vadd.scan.msk.f32 $0xffff, v13  }
0x1f9: {  	v13 =	vbroadcast v18, $0xF;
	v15 =	vmul.f32 v19, v15;
	v18 =	vld [tilespmem:s28+$0x190];
	v19, _, _ =	vpop (xrf2)  }
0x1fa: {  	v9 =	vadd.f32 v12, v9;
	v12 =	vmul.f32 v20, v14;
	v14 =	vld [tilespmem:s28+$0x180]  }
0x1fb: {  	v15 =	vmul.f32 v15, v0;
	v20 =	vld [tilespmem:s26+$0x210];
	(xrf2) =	vadd.scan.msk.f32 $0xffff, v10  }
0x1fc: {  	v10 =	vbroadcast v19, $0xF;
	v12 =	vmul.f32 v12, v1;
	v19 =	vld [tilespmem:s28+$0x210];
	v22, _, _ =	vpop (xrf2)  }
0x1fd: {  	v11 =	vmul.f32 v16, v11;
	v8 =	vmul.f32 v8, v21;
	v16 =	vld [tilespmem:s28+$0x200]  }
0x1fe: {  	v12 =	vadd.f32 v12, v15;
	v7 =	vmul.f32 v7, v18;
	v15 =	vld [tilespmem:s26+$0x200];
	(xrf2) =	vadd.scan.msk.f32 $0xffff, v9  }
0x1ff: {  	v9 =	vbroadcast v22, $0xF;
	v6 =	vmul.f32 v6, v14;
	v14 =	vld [tilespmem:s28+$0x290];
	v18, _, _ =	vpop (xrf2)  }
0x200: {  	v11 =	vmul.f32 v11, v0;
	v8 =	vmul.f32 v8, v1;
	v21 =	vld [tilespmem:s28+$0x280]  }
0x201: {  	v7 =	vmul.f32 v7, v1;
	v6 =	vmul.f32 v6, v0;
	v22 =	vld [tilespmem:s26+$0x280];
	(xrf2) =	vadd.scan.msk.f32 $0xffff, v12  }
0x202: {  	v12 =	vbroadcast v18, $0xF;
	v8 =	vadd.f32 v8, v11;
	v11 =	vmul.f32 v20, v19;
	v18 =	vld [tilespmem:s28+$0x310];
	v19, _, _ =	vpop (xrf2)  }
0x203: {  	v6 =	vadd.f32 v7, v6;
	v7 =	vmul.f32 v15, v16;
	v15 =	vld [tilespmem:s28+$0x300]  }
0x204: {  	v11 =	vmul.f32 v11, v1;
	v4 =	vmul.f32 v4, v14;
	v14 =	vld [tilespmem:s26+$0x300];
	(xrf2) =	vadd.scan.msk.f32 $0xffff, v8  }
0x205: {  	v8 =	vbroadcast v19, $0xF;
	v7 =	vmul.f32 v7, v0;
	v16 =	vld [tilespmem:s26+$0x380];
	v19, _, _ =	vpop (xrf2)  }
0x206: {  	v22 =	vmul.f32 v22, v21;
	v21 =	vld [tilespmem:s26+$0x390]  }
0x207: {  	v4 =	vmul.f32 v4, v1;
	v7 =	vadd.f32 v11, v7;
	v3 =	vmul.f32 v3, v18;
	v11 =	vld [tilespmem:s28+$0x390];
	(xrf2) =	vadd.scan.msk.f32 $0xffff, v6  }
0x208: {  	v6 =	vbroadcast v19, $0xF;
	v18 =	vmul.f32 v22, v0;
	v19 =	vld [tilespmem:s28+$0x380];
	v20, _, _ =	vpop (xrf2)  }
0x209: {  	v14 =	vmul.f32 v14, v15;
	v3 =	vmul.f32 v3, v1  }
0x20a: {  	v4 =	vadd.f32 v4, v18;
	(xrf2) =	vadd.scan.msk.f32 $0xffff, v7  }
0x20b: {  	v7 =	vbroadcast v20, $0xF;
	v14 =	vmul.f32 v14, v0;
	v15, _, _ =	vpop (xrf2)  }
0x20c: {  	v11 =	vmul.f32 v21, v11  }
0x20d: {  	v3 =	vadd.f32 v3, v14;
	v14 =	vmul.f32 v16, v19;
	(xrf2) =	vadd.scan.msk.f32 $0xffff, v4  }
0x20e: {  	v4 =	vbroadcast v5, $0xF;
	v5 =	vbroadcast v15, $0xF;
	v15, _, _ =	vpop (xrf2)  }
0x20f: {  	v11 =	vmul.f32 v11, v1;
	v14 =	vmul.f32 v14, v0  }
0x210: {  	v4 =	vsel vm0, v17, v4;
	(xrf2) =	vadd.scan.msk.f32 $0xffff, v3  }
0x211: {  	v3 =	vsel vm1, v4, v13;
	v4 =	vbroadcast v15, $0xF;
	v11 =	vadd.f32 v11, v14;
	v13, _, _ =	vpop (xrf2)  }
0x212: {  	v3 =	vsel vm2, v3, v10  }
0x213: {  	v3 =	vsel vm3, v3, v9;
	(xrf2) =	vadd.scan.msk.f32 $0xffff, v11  }
0x214: {  	v9 =	vbroadcast v13, $0xF;
	v3 =	vsel vm4, v3, v12;
	v10, _, _ =	vpop (xrf2)  }
0x215: {  	v3 =	vsel vm5, v3, v8  }
0x216: {  	v3 =	vsel vm6, v3, v6  }
0x217: {  	v6 =	vbroadcast v10, $0xF;
	v3 =	vsel vm7, v3, v7;
	v7, _, _ =	vpop (xrf2)  }
0x218: {  	v3 =	vsel vm8, v3, v5  }
0x219: {  	v3 =	vsel vm9, v3, v4  }
0x21a: {  	v7 =	vbroadcast v7, $0xF;
	v3 =	vsel vm10, v3, v9;
	v5, _, _ =	vpop (xrf2)  }
.Ltmp1:
0x21b: {  	v3 =	vsel vm11, v3, v6;
	v5 =	vbroadcast v5, $0xF;
	(pc) =	sbr.rel @p0 .LBB2_4-.Ltmp1, $4  }
0x21c: {  	v3 =	vsel vm12, v3, v7  }
0x21d: {  	v3 =	vsel vm13, v3, v5;
	v4, _, _ =	vpop (xrf2)  }
0x21e: {  	v3 =	vsel vm14, v3, v4  }
0x21f: {  	v3 =	vadd.f32 v3, v2  }
0x220: {  	_ = 	snop  }
0x221: {  	v0 =	vsub.f32 $0.0e+00, v3;
	_ =	sdelay $0x1  }
0x222: {  	v0 =	vmul.f32 $1.442695020e+00, v0;
	_ =	sdelay $0x1  }
0x223: {  	(erf) = vpow2.f32 v0;
	_ =	sdelay $0x8  }
0x224: {  	v0 =	vpop (erf)  }
0x225: {  	v0 =	vadd.f32 $1.000000000e+00, v0;
	_ =	sdelay $0x1  }
0x226: {  	(erf) = vrcp.f32 v0;
	_ =	sdelay $0x7  }
0x227: {  	s25 =	sadd.s32 $0x1, s25  }
0x228: {  	s0 =	sand.u32 $0xF0, s29;
	p0 =	sne.s32 s25, s9;
	v0 =	vpop (erf)  }
.Ltmp2:
0x229: {  	[tilespmem:s0+$0x10580] =	vst v0;
	(pc) =	sbr.rel @p0 .LBB2_1-.Ltmp2, $4  }
0x22a: {  	[hbm4b:s8+s1] =	stream.linear.scatter [tilespmem:s24], [sflag:$0x2], $0x200, $0x38;
	[tilespmem:$0x10680] =	vst v63  }
0x22b: {  	_ =	swait.ge [sflag:s10], $0x200  }
0x22c: {  	[sflag:s10] =	ssyncset.done $0x0  }
0x22d: {  	[sflag:s10] =	ssyncadd.s32 $0xFFFFFE00  }
0x22e: {  	_ =	sfence.sel $0x180000  }
0x22f: {  	[bflag:$0x0] =	sbarrier.arrive $0xFFFF  }
0x230: {  	_ =	strace $0x90000047  }
0x231: {  	[bflag:$0x2] =	sbarrier.arrive $0xFFFF  }
0x232: {  	p0 =	sne.s32 s2, $0x0;
	s0 =	rddreg [dreg:$0x4]  }
0x233: {  	s0 =	sadd.s32 @!p0 $0x100000, s0  }
0x234: {  	[sflag:s0] =	ssyncadd.tile.s32 @!p0 $0x1;
	_ =	shalt  }
.Lfunc_end2:
_tile_overlayer_lowered:
.L_overlay_start_2:
0x235: {  	(tag) =	ssettag $0x2  }
0x236: {  	s0 =	rddreg [dreg:$0x0];
	s2 =	stileid.u32  }
0x237: {  	s1 =	rddreg [dreg:$0x1];
	p0 =	sne.s32 s2, $0x0  }
0x238: {  	s3 =	rddreg [dreg:$0x2];
	[bflag:$0x3] =	sbarrier.arrive $0xFFFF;
	s2 =	simm.s32 @!p0 $0x1C02  }
0x239: {  	[timem:s3], [sflag:s2] =	dma.local @!p0 [hbm:s0], s1  }
0x23a: {  	s0 =	simm.s32 @!p0 $0x2  }
0x23b: {  	_ =	swait.ge @!p0 [sflag:s0], s1  }
0x23c: {  	s1 =	ssub.s32 @!p0 $0x0, s1;
	[sflag:s0] =	ssyncset.done @!p0 $0x0  }
0x23d: {  	[sflag:s0] =	ssyncadd.s32 @!p0 s1  }
0x23e: {  	[bflag:$0x3] =	sbarrier.arrive $0xFFFF  }
0x23f: {  	_ =	shalt  }

</sc_bundles>
